<compile_context>
chip_gen: v7x
topology: tpu7x:2x2x1
jax: 0.10.2.dev20260603
libtpu: 0.0.44.dev20260713+nightly
codegen_flags: <defaults>
</compile_context>

<pallas_src>
import functools

import jax
import jax.numpy as jnp
from jax import lax
from jax.experimental import pallas as pl
from jax.experimental.pallas import tpu as pltpu
from jax.experimental.pallas import tpu_sc as plsc

E = 16
TOP_K = 2
HIDDEN = 1024
INTER = 512
T = 2048
NEG_INF = float("-inf")
HH = HIDDEN // 2
MASK_HI = -65536

BLK = 512
NB = (T * TOP_K) // BLK + (E - 1)
GROUP_ROWS = NB * BLK
CHUNK = 256
NW = 32
TPW = T // NW
CC = 32
NCH = TPW // CC


def _router_body(x_ref, gate_ref, dest_ref, meta_ref, wts_ref, xp_ref):
    x = x_ref[...]
    logits = lax.dot_general(x, gate_ref[...], (((1,), (1,)), ((), ())),
                             preferred_element_type=jnp.float32)
    ii = lax.broadcasted_iota(jnp.int32, (T, E), 1)
    m1 = jnp.max(logits, axis=-1, keepdims=True)
    i1 = jnp.min(jnp.where(logits == m1, ii, E), axis=-1, keepdims=True)
    l2 = jnp.where(ii == i1, NEG_INF, logits)
    m2 = jnp.max(l2, axis=-1, keepdims=True)
    i2 = jnp.min(jnp.where(l2 == m2, ii, E), axis=-1, keepdims=True)
    r = jnp.exp(m2 - m1)
    w1 = 1.0 / (1.0 + r)
    w2 = 1.0 - w1
    wts_ref[0:T, :] = jnp.broadcast_to(w1, (T, 16))
    wts_ref[T:2 * T, :] = jnp.broadcast_to(w2, (T, 16))

    lo = lax.bitcast_convert_type(x[:, :HH], jnp.int32) + 32768
    hi = lax.bitcast_convert_type(x[:, HH:], jnp.int32) + 32768
    xp_ref[...] = lax.shift_right_logical(lo, 16) | (hi & MASK_HI)

    oh0 = (ii == i1).astype(jnp.float32)
    oh1 = (ii == i2).astype(jnp.float32)

    rr = lax.broadcasted_iota(jnp.int32, (CHUNK, CHUNK), 0)
    cc = lax.broadcasted_iota(jnp.int32, (CHUNK, CHUNK), 1)
    ltri = (rr > cc).astype(jnp.float32)

    def _excl_cumsum(oh):
        parts = []
        off = jnp.zeros((1, E), jnp.float32)
        for c in range(T // CHUNK):
            blk = oh[c * CHUNK:(c + 1) * CHUNK, :]
            exc = lax.dot_general(ltri, blk, (((1,), (0,)), ((), ())),
                                  preferred_element_type=jnp.float32)
            parts.append(exc + off)
            off = off + jnp.sum(blk, axis=0, keepdims=True)
        return jnp.concatenate(parts, axis=0), off

    exc0, cnt0 = _excl_cumsum(oh0)
    exc1, cnt1 = _excl_cumsum(oh1)
    counts = cnt0 + cnt1
    nb = jnp.floor((counts + (BLK - 1)) / BLK)
    er = lax.broadcasted_iota(jnp.int32, (E, E), 0)
    ec = lax.broadcasted_iota(jnp.int32, (E, E), 1)
    eutri = (er < ec).astype(jnp.float32)
    bs = lax.dot_general(nb, eutri, (((1,), (0,)), ((), ())),
                         preferred_element_type=jnp.float32)
    total = jnp.sum(nb)

    rank0 = jnp.sum(oh0 * exc0, axis=1)
    rank1 = jnp.sum(oh1 * (cnt0 + exc1), axis=1)
    base0 = jnp.sum(oh0 * bs, axis=1) * BLK
    base1 = jnp.sum(oh1 * bs, axis=1) * BLK
    dest_ref[0, :] = (base0 + rank0).astype(jnp.int32)
    dest_ref[1, :] = (base1 + rank1).astype(jnp.int32)

    bb = lax.broadcasted_iota(jnp.int32, (64, E), 0).astype(jnp.float32)
    emap = jnp.sum((bs <= bb).astype(jnp.int32), axis=1) - 1
    bidx = lax.broadcasted_iota(jnp.int32, (64, 1), 0).astype(jnp.float32)[:, 0]
    active = (bidx < total).astype(jnp.int32)
    meta_ref[0, :] = jnp.clip(emap, 0, E - 1)
    meta_ref[1, :] = active
    meta_ref[2, :] = jnp.minimum(bidx, total - 1.0).astype(jnp.int32)


def _router_call(x, gate_w):
    return pl.pallas_call(
        _router_body,
        out_shape=(
            jax.ShapeDtypeStruct((2, T), jnp.int32),
            jax.ShapeDtypeStruct((3, 64), jnp.int32),
            jax.ShapeDtypeStruct((2 * T, 16), jnp.float32),
            jax.ShapeDtypeStruct((T, HH), jnp.int32),
        ),
    )(x, gate_w)




def _make_sc_scatter():
    mesh = plsc.VectorSubcoreMesh(core_axis_name="c", subcore_axis_name="s")

    @functools.partial(
        pl.kernel, mesh=mesh,
        out_type=jax.ShapeDtypeStruct((GROUP_ROWS, HH), jnp.int32),
        scratch_types=[
            pltpu.VMEM((TPW, HH), jnp.int32),
            pltpu.VMEM((TPW,), jnp.int32),
            pltpu.VMEM((TPW,), jnp.int32),
            pltpu.SemaphoreType.DMA,
            pltpu.SemaphoreType.DMA,
        ],
    )
    def k(xp_hbm, dest_hbm, xg_hbm, rows_v, idx0_v, idx1_v, sem_a, sem_b):
        wid = lax.axis_index("s") * 2 + lax.axis_index("c")
        base = wid * TPW
        pltpu.sync_copy(dest_hbm.at[0, pl.ds(base, TPW)], idx0_v)
        pltpu.sync_copy(dest_hbm.at[1, pl.ds(base, TPW)], idx1_v)
        pltpu.sync_copy(xp_hbm.at[pl.ds(base, TPW)], rows_v)
        c0 = pltpu.async_copy(rows_v, xg_hbm.at[idx0_v], sem_a)
        c1 = pltpu.async_copy(rows_v, xg_hbm.at[idx1_v], sem_b)
        c0.wait()
        c1.wait()

    return k




def _ffn_body(s_ref, xg_ref, wg_ref, wu_ref, wd_ref, yg_ref):
    b = pl.program_id(0)

    @pl.when(s_ref[1, b] == 1)
    def _compute():
        v = xg_ref[...]
        xb = jnp.concatenate(
            [lax.bitcast_convert_type(lax.shift_left(v, 16), jnp.float32),
             lax.bitcast_convert_type(v & MASK_HI, jnp.float32)], axis=1)
        g = lax.dot_general(xb, wg_ref[0], (((1,), (1,)), ((), ())),
                            preferred_element_type=jnp.float32)
        u = lax.dot_general(xb, wu_ref[0], (((1,), (1,)), ((), ())),
                            preferred_element_type=jnp.float32)
        h = (g * jax.nn.sigmoid(g)) * u
        y = lax.dot_general(h, wd_ref[0], (((1,), (1,)), ((), ())),
                            preferred_element_type=jnp.float32)
        ylo = lax.bitcast_convert_type(y[:, :HH], jnp.int32) + 32768
        yhi = lax.bitcast_convert_type(y[:, HH:], jnp.int32) + 32768
        yg_ref[...] = lax.shift_right_logical(ylo, 16) | (yhi & MASK_HI)


def _ffn_call(meta, xg, w_gate, w_up, w_down):
    grid_spec = pltpu.PrefetchScalarGridSpec(
        num_scalar_prefetch=1,
        grid=(NB,),
        in_specs=[
            pl.BlockSpec((BLK, HH), lambda b, s: (s[2, b], 0)),
            pl.BlockSpec((1, INTER, HIDDEN), lambda b, s: (s[0, b], 0, 0)),
            pl.BlockSpec((1, INTER, HIDDEN), lambda b, s: (s[0, b], 0, 0)),
            pl.BlockSpec((1, HIDDEN, INTER), lambda b, s: (s[0, b], 0, 0)),
        ],
        out_specs=pl.BlockSpec((BLK, HH), lambda b, s: (s[2, b], 0)),
    )
    return pl.pallas_call(
        _ffn_body,
        grid_spec=grid_spec,
        out_shape=jax.ShapeDtypeStruct((GROUP_ROWS, HH), jnp.int32),
    )(meta, xg, w_gate, w_up, w_down)




def _make_sc_gather():
    mesh = plsc.VectorSubcoreMesh(core_axis_name="c", subcore_axis_name="s")

    @functools.partial(
        pl.kernel, mesh=mesh,
        out_type=(
            jax.ShapeDtypeStruct((T, HH), jnp.int32),
            jax.ShapeDtypeStruct((T, HH), jnp.int32),
        ),
        scratch_types=[
            pltpu.VMEM((CC, HH), jnp.int32),
            pltpu.VMEM((CC, HH), jnp.int32),
            pltpu.VMEM((CC, HH), jnp.int32),
            pltpu.VMEM((CC, HH), jnp.int32),
            pltpu.VMEM((TPW,), jnp.int32),
            pltpu.VMEM((TPW,), jnp.int32),
            pltpu.VMEM((CC,), jnp.int32),
            pltpu.VMEM((CC,), jnp.int32),
            pltpu.VMEM((CC,), jnp.int32),
            pltpu.VMEM((CC,), jnp.int32),
            pltpu.SemaphoreType.DMA,
            pltpu.SemaphoreType.DMA,
            pltpu.SemaphoreType.DMA,
            pltpu.SemaphoreType.DMA,
        ],
    )
    def k(yg_hbm, dest_hbm, y0_hbm, y1_hbm,
          a0_v, a1_v, b0_v, b1_v, idx0_v, idx1_v,
          ia0_v, ia1_v, ib0_v, ib1_v,
          sem_a, sem_b, sem_wa, sem_wb):
        wid = lax.axis_index("s") * 2 + lax.axis_index("c")
        base = wid * TPW
        pltpu.sync_copy(dest_hbm.at[0, pl.ds(base, TPW)], idx0_v)
        pltpu.sync_copy(dest_hbm.at[1, pl.ds(base, TPW)], idx1_v)

        bufs = [(a0_v, a1_v, ia0_v, ia1_v, sem_a, sem_wa),
                (b0_v, b1_v, ib0_v, ib1_v, sem_b, sem_wb)]

        def start(c):
            y0, y1, i0, i1, sg, _ = bufs[c % 2]
            for q in range(CC // 16):
                i0[pl.ds(q * 16, 16)] = idx0_v[pl.ds(c * CC + q * 16, 16)]
                i1[pl.ds(q * 16, 16)] = idx1_v[pl.ds(c * CC + q * 16, 16)]
            g0 = pltpu.async_copy(yg_hbm.at[i0], y0, sg)
            g1 = pltpu.async_copy(yg_hbm.at[i1], y1, sg)
            return g0, g1

        pend = start(0)
        wpend = [None, None]
        for c in range(NCH):
            y0, y1, _, _, _, sw = bufs[c % 2]
            pend[0].wait()
            pend[1].wait()
            if c + 1 < NCH:
                for p in wpend[(c + 1) % 2] or ():
                    p.wait()
                wpend[(c + 1) % 2] = None
                pend = start(c + 1)
            rows = pl.ds(base + c * CC, CC)
            s0 = pltpu.async_copy(y0, y0_hbm.at[rows], sw)
            s1 = pltpu.async_copy(y1, y1_hbm.at[rows], sw)
            wpend[c % 2] = (s0, s1)
        for pair in wpend:
            for p in pair or ():
                p.wait()

    return k




def _fin_body(w_ref, y0_ref, y1_ref, out_ref):
    w0 = w_ref[0:T, 0:1]
    w1 = w_ref[T:2 * T, 0:1]
    v0 = y0_ref[...]
    v1 = y1_ref[...]
    lo0 = lax.bitcast_convert_type(lax.shift_left(v0, 16), jnp.float32)
    hi0 = lax.bitcast_convert_type(v0 & MASK_HI, jnp.float32)
    lo1 = lax.bitcast_convert_type(lax.shift_left(v1, 16), jnp.float32)
    hi1 = lax.bitcast_convert_type(v1 & MASK_HI, jnp.float32)
    out_ref[...] = jnp.concatenate(
        [w0 * lo0 + w1 * lo1, w0 * hi0 + w1 * hi1], axis=1)


def _fin_call(wts, y0, y1):
    return pl.pallas_call(
        _fin_body,
        out_shape=jax.ShapeDtypeStruct((T, HIDDEN), jnp.float32),
    )(wts, y0, y1)


def kernel(hidden_states, gate_w, w_gate, w_up, w_down, num_global_tokens,
           max_num_tokens_per_gpu):
    del num_global_tokens, max_num_tokens_per_gpu
    dest, meta, wts, xp = _router_call(hidden_states, gate_w)
    xg = _make_sc_scatter()(xp, dest)
    yg = _ffn_call(meta, xg, w_gate, w_up, w_down)
    y0, y1 = _make_sc_gather()(yg, dest)
    return _fin_call(wts, y0, y1)

# --- scband reference (transcript-rebuilt; emitter-appended) ---
"""Pipeline reference for scband-mini-max-m2-sparse-moe-block-78752520339601 (READ-ONLY COPY).

The authoritative reference and input builder live on the scoring server;
editing this copy changes nothing except your own understanding.
"""

import jax, jax.numpy as jnp
import numpy as np

E = 16
TOP_K = 2
HIDDEN = 1024
INTER = 512
T = 2048

def setup_inputs(seed: int = 0) -> dict:
    key = jax.random.key(seed)
    k1, k2, k3, k4, k5 = jax.random.split(key, 5)
    hidden_states = jax.random.normal(k1, (T, HIDDEN), dtype=jnp.float32)
    gate_w = jax.random.normal(k2, (E, HIDDEN), dtype=jnp.float32) * 0.02
    w_gate = jax.random.normal(k3, (E, INTER, HIDDEN), dtype=jnp.float32) * 0.02
    w_up = jax.random.normal(k4, (E, INTER, HIDDEN), dtype=jnp.float32) * 0.02
    w_down = jax.random.normal(k5, (E, HIDDEN, INTER), dtype=jnp.float32) * 0.02
    return {
        'hidden_states': hidden_states,
        'gate_w': gate_w,
        'w_gate': w_gate,
        'w_up': w_up,
        'w_down': w_down,
        'num_global_tokens': T,
        'max_num_tokens_per_gpu': T,
    }

def reference(hidden_states, gate_w, w_gate, w_up, w_down, num_global_tokens, max_num_tokens_per_gpu):
    num_tokens, hidden_dim = hidden_states.shape
    x = hidden_states.reshape(-1, hidden_dim)
    # router: ReplicatedLinear in fp32
    router_logits = x.astype(jnp.float32) @ gate_w.T  # [T, E]
    # grouped topk with n_group=1 == plain softmax topk, renormalize=True
    scores = jax.nn.softmax(router_logits, axis=-1)
    topk_vals, topk_idx = jax.lax.top_k(scores, TOP_K)  # [T, K]
    topk_w = topk_vals / jnp.sum(topk_vals, axis=-1, keepdims=True)  # renormalize
    # combine weights per expert: [T, E]
    one_hot = jax.nn.one_hot(topk_idx, E, dtype=topk_w.dtype)  # [T, K, E]
    combine = jnp.sum(one_hot * topk_w[..., None], axis=1)  # [T, E]
    out = jnp.zeros((num_tokens, hidden_dim), dtype=x.dtype)
    for e in range(E):
        h = jax.nn.silu(x @ w_gate[e].T) * (x @ w_up[e].T)  # [T, INTER]
        y = h @ w_down[e].T  # [T, HIDDEN]
        out = out + combine[:, e:e + 1] * y
    return out.reshape(num_tokens, hidden_dim)

if __name__ == "__main__":
    import jax
    _d = setup_inputs()
    print(jax.jit(kernel)(*tuple(_d.values())))

</pallas_src>

<mosaic_0001>
#map = affine_map<(d0, d1) -> (0, 0)>
module attributes {stable_mosaic.version = 14 : i64} {
  func.func @k(%arg0: i32, %arg1: i32, %arg2: memref<11776x512xi32, #tpu.memory_space<hbm>>, %arg3: memref<2x2048xi32, #tpu.memory_space<hbm>>, %arg4: memref<2048x512xi32, #tpu.memory_space<hbm>>, %arg5: memref<2048x512xi32, #tpu.memory_space<hbm>>, %arg6: memref<32x512xi32, #tpu.memory_space<vmem>>, %arg7: memref<32x512xi32, #tpu.memory_space<vmem>>, %arg8: memref<32x512xi32, #tpu.memory_space<vmem>>, %arg9: memref<32x512xi32, #tpu.memory_space<vmem>>, %arg10: memref<64xi32, #tpu.memory_space<vmem>>, %arg11: memref<64xi32, #tpu.memory_space<vmem>>, %arg12: memref<32xi32, #tpu.memory_space<vmem>>, %arg13: memref<32xi32, #tpu.memory_space<vmem>>, %arg14: memref<32xi32, #tpu.memory_space<vmem>>, %arg15: memref<32xi32, #tpu.memory_space<vmem>>, %arg16: memref<!tpu.dma_semaphore, #tpu.memory_space<semaphore_mem>>, %arg17: memref<!tpu.dma_semaphore, #tpu.memory_space<semaphore_mem>>, %arg18: memref<!tpu.dma_semaphore, #tpu.memory_space<semaphore_mem>>, %arg19: memref<!tpu.dma_semaphore, #tpu.memory_space<semaphore_mem>>) attributes {dimension_semantics = [#tpu.dimension_semantics<core_parallel>, #tpu.dimension_semantics<subcore_parallel>], iteration_bounds = array<i64: 2, 16>, scalar_prefetch = 0 : i64, scratch_operands = 14 : i64, tpu.core_type = #tpu.core_type<sc_vector_subcore>, window_params = [{transform_indices = #map}, {transform_indices = #map}, {transform_indices = #map}, {transform_indices = #map}]} {
    %mul3A = arith.constant 2 : i32
    %mul3A_0 = arith.muli %arg1, %mul3A : i32
    %add3A = arith.addi %mul3A_0, %arg0 : i32
    %mul3A_1 = arith.constant 64 : i32
    %mul3A_2 = arith.muli %add3A, %mul3A_1 : i32
    %run_scoped3A = arith.constant 0 : i32
    "tpu.region"() ({
      %run_scoped3A_116 = tpu.sem_alloc : memref<!tpu.dma_semaphore, #tpu.memory_space<semaphore_mem>>
      %dma_start3A_117 = tpu.memref_slice %arg3[%run_scoped3A, %mul3A_2] : memref<2x2048xi32, #tpu.memory_space<hbm>> -> memref<1x64xi32, #tpu.memory_space<hbm>>
      %dma_start3A_118 = tpu.memref_squeeze %dma_start3A_117 : memref<1x64xi32, #tpu.memory_space<hbm>> -> memref<64xi32, #tpu.memory_space<hbm>>
      %dma_start3A_119 = tpu.memref_slice %arg3[%run_scoped3A, %mul3A_2] : memref<2x2048xi32, #tpu.memory_space<hbm>> -> memref<1x64xi32, #tpu.memory_space<hbm>>
      %dma_start3A_120 = tpu.memref_squeeze %dma_start3A_119 : memref<1x64xi32, #tpu.memory_space<hbm>> -> memref<64xi32, #tpu.memory_space<hbm>>
      tpu.enqueue_dma source(%dma_start3A_120 : memref<64xi32, #tpu.memory_space<hbm>>) target(%arg10 : memref<64xi32, #tpu.memory_space<vmem>>) target_semaphore(%run_scoped3A_116 : memref<!tpu.dma_semaphore, #tpu.memory_space<semaphore_mem>>)
      %dma_wait3A_121 = tpu.memref_slice %arg3[%run_scoped3A, %mul3A_2] : memref<2x2048xi32, #tpu.memory_space<hbm>> -> memref<1x64xi32, #tpu.memory_space<hbm>>
      %dma_wait3A_122 = tpu.memref_squeeze %dma_wait3A_121 : memref<1x64xi32, #tpu.memory_space<hbm>> -> memref<64xi32, #tpu.memory_space<hbm>>
      %dma_wait3A_123 = tpu.memref_slice %arg3[%run_scoped3A, %mul3A_2] : memref<2x2048xi32, #tpu.memory_space<hbm>> -> memref<1x64xi32, #tpu.memory_space<hbm>>
      %dma_wait3A_124 = tpu.memref_squeeze %dma_wait3A_123 : memref<1x64xi32, #tpu.memory_space<hbm>> -> memref<64xi32, #tpu.memory_space<hbm>>
      tpu.wait_dma2 semaphore(%run_scoped3A_116 : memref<!tpu.dma_semaphore, #tpu.memory_space<semaphore_mem>>) src(%dma_wait3A_124 : memref<64xi32, #tpu.memory_space<hbm>>) dst(%arg10 : memref<64xi32, #tpu.memory_space<vmem>>)
      tpu.yield
    }) : () -> ()
    %run_scoped3A_3 = arith.constant 1 : i32
    "tpu.region"() ({
      %run_scoped3A_116 = tpu.sem_alloc : memref<!tpu.dma_semaphore, #tpu.memory_space<semaphore_mem>>
      %dma_start3A_117 = tpu.memref_slice %arg3[%run_scoped3A_3, %mul3A_2] : memref<2x2048xi32, #tpu.memory_space<hbm>> -> memref<1x64xi32, #tpu.memory_space<hbm>>
      %dma_start3A_118 = tpu.memref_squeeze %dma_start3A_117 : memref<1x64xi32, #tpu.memory_space<hbm>> -> memref<64xi32, #tpu.memory_space<hbm>>
      %dma_start3A_119 = tpu.memref_slice %arg3[%run_scoped3A_3, %mul3A_2] : memref<2x2048xi32, #tpu.memory_space<hbm>> -> memref<1x64xi32, #tpu.memory_space<hbm>>
      %dma_start3A_120 = tpu.memref_squeeze %dma_start3A_119 : memref<1x64xi32, #tpu.memory_space<hbm>> -> memref<64xi32, #tpu.memory_space<hbm>>
      tpu.enqueue_dma source(%dma_start3A_120 : memref<64xi32, #tpu.memory_space<hbm>>) target(%arg11 : memref<64xi32, #tpu.memory_space<vmem>>) target_semaphore(%run_scoped3A_116 : memref<!tpu.dma_semaphore, #tpu.memory_space<semaphore_mem>>)
      %dma_wait3A_121 = tpu.memref_slice %arg3[%run_scoped3A_3, %mul3A_2] : memref<2x2048xi32, #tpu.memory_space<hbm>> -> memref<1x64xi32, #tpu.memory_space<hbm>>
      %dma_wait3A_122 = tpu.memref_squeeze %dma_wait3A_121 : memref<1x64xi32, #tpu.memory_space<hbm>> -> memref<64xi32, #tpu.memory_space<hbm>>
      %dma_wait3A_123 = tpu.memref_slice %arg3[%run_scoped3A_3, %mul3A_2] : memref<2x2048xi32, #tpu.memory_space<hbm>> -> memref<1x64xi32, #tpu.memory_space<hbm>>
      %dma_wait3A_124 = tpu.memref_squeeze %dma_wait3A_123 : memref<1x64xi32, #tpu.memory_space<hbm>> -> memref<64xi32, #tpu.memory_space<hbm>>
      tpu.wait_dma2 semaphore(%run_scoped3A_116 : memref<!tpu.dma_semaphore, #tpu.memory_space<semaphore_mem>>) src(%dma_wait3A_124 : memref<64xi32, #tpu.memory_space<hbm>>) dst(%arg11 : memref<64xi32, #tpu.memory_space<vmem>>)
      tpu.yield
    }) : () -> ()
    %get3A = arith.constant 0 : index
    %get3A_4 = tpu.vector_load %arg10[%get3A] {strides = array<i32>} : memref<64xi32, #tpu.memory_space<vmem>>, vector<16xi32>,
    %get3A_5 = vector.shape_cast %get3A_4 : vector<16xi32> to vector<16xi32>
    %swap3A = arith.constant 0 : index
    %swap3A_6 = tpu.vector_load %arg12[%swap3A] {strides = array<i32>} : memref<32xi32, #tpu.memory_space<vmem>>, vector<16xi32>,
    %swap3A_7 = vector.shape_cast %swap3A_6 : vector<16xi32> to vector<16xi32>
    %swap3A_8 = vector.shape_cast %get3A_5 : vector<16xi32> to vector<16xi32>
    tpu.vector_store %arg12[%swap3A], %swap3A_8 {strides = array<i32>} : memref<32xi32, #tpu.memory_space<vmem>>, vector<16xi32>,
    %get3A_9 = arith.constant 0 : index
    %get3A_10 = tpu.vector_load %arg11[%get3A_9] {strides = array<i32>} : memref<64xi32, #tpu.memory_space<vmem>>, vector<16xi32>,
    %get3A_11 = vector.shape_cast %get3A_10 : vector<16xi32> to vector<16xi32>
    %swap3A_12 = arith.constant 0 : index
    %swap3A_13 = tpu.vector_load %arg13[%swap3A_12] {strides = array<i32>} : memref<32xi32, #tpu.memory_space<vmem>>, vector<16xi32>,
    %swap3A_14 = vector.shape_cast %swap3A_13 : vector<16xi32> to vector<16xi32>
    %swap3A_15 = vector.shape_cast %get3A_11 : vector<16xi32> to vector<16xi32>
    tpu.vector_store %arg13[%swap3A_12], %swap3A_15 {strides = array<i32>} : memref<32xi32, #tpu.memory_space<vmem>>, vector<16xi32>,
    %get3A_16 = arith.constant 16 : index
    %get3A_17 = tpu.vector_load %arg10[%get3A_16] {strides = array<i32>} : memref<64xi32, #tpu.memory_space<vmem>>, vector<16xi32>,
    %get3A_18 = vector.shape_cast %get3A_17 : vector<16xi32> to vector<16xi32>
    %swap3A_19 = arith.constant 16 : index
    %swap3A_20 = tpu.vector_load %arg12[%swap3A_19] {strides = array<i32>} : memref<32xi32, #tpu.memory_space<vmem>>, vector<16xi32>,
    %swap3A_21 = vector.shape_cast %swap3A_20 : vector<16xi32> to vector<16xi32>
    %swap3A_22 = vector.shape_cast %get3A_18 : vector<16xi32> to vector<16xi32>
    tpu.vector_store %arg12[%swap3A_19], %swap3A_22 {strides = array<i32>} : memref<32xi32, #tpu.memory_space<vmem>>, vector<16xi32>,
    %get3A_23 = arith.constant 16 : index
    %get3A_24 = tpu.vector_load %arg11[%get3A_23] {strides = array<i32>} : memref<64xi32, #tpu.memory_space<vmem>>, vector<16xi32>,
    %get3A_25 = vector.shape_cast %get3A_24 : vector<16xi32> to vector<16xi32>
    %swap3A_26 = arith.constant 16 : index
    %swap3A_27 = tpu.vector_load %arg13[%swap3A_26] {strides = array<i32>} : memref<32xi32, #tpu.memory_space<vmem>>, vector<16xi32>,
    %swap3A_28 = vector.shape_cast %swap3A_27 : vector<16xi32> to vector<16xi32>
    %swap3A_29 = vector.shape_cast %get3A_25 : vector<16xi32> to vector<16xi32>
    tpu.vector_store %arg13[%swap3A_26], %swap3A_29 {strides = array<i32>} : memref<32xi32, #tpu.memory_space<vmem>>, vector<16xi32>,
    %dma_start3A = arith.constant 0 : i32
    %dma_start3A_30 = arith.constant 0 : i32
    %dma_start3A_31 = tpu.memref_slice %arg2[%dma_start3A, %dma_start3A_30] : memref<11776x512xi32, #tpu.memory_space<hbm>> -> memref<11776x512xi32, #tpu.memory_space<hbm>>
    tpu.enqueue_indirect_dma source(%dma_start3A_31 : memref<11776x512xi32, #tpu.memory_space<hbm>>) target(%arg6 : memref<32x512xi32, #tpu.memory_space<vmem>>) offsets(%arg12 : memref<32xi32, #tpu.memory_space<vmem>>) semaphore(%arg16 : memref<!tpu.dma_semaphore, #tpu.memory_space<semaphore_mem>>)
    %dma_start3A_32 = arith.constant 0 : i32
    %dma_start3A_33 = arith.constant 0 : i32
    %dma_start3A_34 = tpu.memref_slice %arg2[%dma_start3A_32, %dma_start3A_33] : memref<11776x512xi32, #tpu.memory_space<hbm>> -> memref<11776x512xi32, #tpu.memory_space<hbm>>
    tpu.enqueue_indirect_dma source(%dma_start3A_34 : memref<11776x512xi32, #tpu.memory_space<hbm>>) target(%arg7 : memref<32x512xi32, #tpu.memory_space<vmem>>) offsets(%arg13 : memref<32xi32, #tpu.memory_space<vmem>>) semaphore(%arg16 : memref<!tpu.dma_semaphore, #tpu.memory_space<semaphore_mem>>)
    %dma_wait3A = arith.constant 0 : i32
    %dma_wait3A_35 = arith.constant 0 : i32
    %dma_wait3A_36 = tpu.memref_slice %arg2[%dma_wait3A, %dma_wait3A_35] : memref<11776x512xi32, #tpu.memory_space<hbm>> -> memref<11776x512xi32, #tpu.memory_space<hbm>>
    tpu.wait_indirect_dma semaphore(%arg16 : memref<!tpu.dma_semaphore, #tpu.memory_space<semaphore_mem>>) src(%dma_wait3A_36 : memref<11776x512xi32, #tpu.memory_space<hbm>>) dst(%arg6 : memref<32x512xi32, #tpu.memory_space<vmem>>)
    %dma_wait3A_37 = arith.constant 0 : i32
    %dma_wait3A_38 = arith.constant 0 : i32
    %dma_wait3A_39 = tpu.memref_slice %arg2[%dma_wait3A_37, %dma_wait3A_38] : memref<11776x512xi32, #tpu.memory_space<hbm>> -> memref<11776x512xi32, #tpu.memory_space<hbm>>
    tpu.wait_indirect_dma semaphore(%arg16 : memref<!tpu.dma_semaphore, #tpu.memory_space<semaphore_mem>>) src(%dma_wait3A_39 : memref<11776x512xi32, #tpu.memory_space<hbm>>) dst(%arg7 : memref<32x512xi32, #tpu.memory_space<vmem>>)
    %get3A_40 = arith.constant 32 : index
    %get3A_41 = tpu.vector_load %arg10[%get3A_40] {strides = array<i32>} : memref<64xi32, #tpu.memory_space<vmem>>, vector<16xi32>,
    %get3A_42 = vector.shape_cast %get3A_41 : vector<16xi32> to vector<16xi32>
    %swap3A_43 = arith.constant 0 : index
    %swap3A_44 = tpu.vector_load %arg14[%swap3A_43] {strides = array<i32>} : memref<32xi32, #tpu.memory_space<vmem>>, vector<16xi32>,
    %swap3A_45 = vector.shape_cast %swap3A_44 : vector<16xi32> to vector<16xi32>
    %swap3A_46 = vector.shape_cast %get3A_42 : vector<16xi32> to vector<16xi32>
    tpu.vector_store %arg14[%swap3A_43], %swap3A_46 {strides = array<i32>} : memref<32xi32, #tpu.memory_space<vmem>>, vector<16xi32>,
    %get3A_47 = arith.constant 32 : index
    %get3A_48 = tpu.vector_load %arg11[%get3A_47] {strides = array<i32>} : memref<64xi32, #tpu.memory_space<vmem>>, vector<16xi32>,
    %get3A_49 = vector.shape_cast %get3A_48 : vector<16xi32> to vector<16xi32>
    %swap3A_50 = arith.constant 0 : index
    %swap3A_51 = tpu.vector_load %arg15[%swap3A_50] {strides = array<i32>} : memref<32xi32, #tpu.memory_space<vmem>>, vector<16xi32>,
    %swap3A_52 = vector.shape_cast %swap3A_51 : vector<16xi32> to vector<16xi32>
    %swap3A_53 = vector.shape_cast %get3A_49 : vector<16xi32> to vector<16xi32>
    tpu.vector_store %arg15[%swap3A_50], %swap3A_53 {strides = array<i32>} : memref<32xi32, #tpu.memory_space<vmem>>, vector<16xi32>,
    %get3A_54 = arith.constant 48 : index
    %get3A_55 = tpu.vector_load %arg10[%get3A_54] {strides = array<i32>} : memref<64xi32, #tpu.memory_space<vmem>>, vector<16xi32>,
    %get3A_56 = vector.shape_cast %get3A_55 : vector<16xi32> to vector<16xi32>
    %swap3A_57 = arith.constant 16 : index
    %swap3A_58 = tpu.vector_load %arg14[%swap3A_57] {strides = array<i32>} : memref<32xi32, #tpu.memory_space<vmem>>, vector<16xi32>,
    %swap3A_59 = vector.shape_cast %swap3A_58 : vector<16xi32> to vector<16xi32>
    %swap3A_60 = vector.shape_cast %get3A_56 : vector<16xi32> to vector<16xi32>
    tpu.vector_store %arg14[%swap3A_57], %swap3A_60 {strides = array<i32>} : memref<32xi32, #tpu.memory_space<vmem>>, vector<16xi32>,
    %get3A_61 = arith.constant 48 : index
    %get3A_62 = tpu.vector_load %arg11[%get3A_61] {strides = array<i32>} : memref<64xi32, #tpu.memory_space<vmem>>, vector<16xi32>,
    %get3A_63 = vector.shape_cast %get3A_62 : vector<16xi32> to vector<16xi32>
    %swap3A_64 = arith.constant 16 : index
    %swap3A_65 = tpu.vector_load %arg15[%swap3A_64] {strides = array<i32>} : memref<32xi32, #tpu.memory_space<vmem>>, vector<16xi32>,
    %swap3A_66 = vector.shape_cast %swap3A_65 : vector<16xi32> to vector<16xi32>
    %swap3A_67 = vector.shape_cast %get3A_63 : vector<16xi32> to vector<16xi32>
    tpu.vector_store %arg15[%swap3A_64], %swap3A_67 {strides = array<i32>} : memref<32xi32, #tpu.memory_space<vmem>>, vector<16xi32>,
    %dma_start3A_68 = arith.constant 0 : i32
    %dma_start3A_69 = arith.constant 0 : i32
    %dma_start3A_70 = tpu.memref_slice %arg2[%dma_start3A_68, %dma_start3A_69] : memref<11776x512xi32, #tpu.memory_space<hbm>> -> memref<11776x512xi32, #tpu.memory_space<hbm>>
    tpu.enqueue_indirect_dma source(%dma_start3A_70 : memref<11776x512xi32, #tpu.memory_space<hbm>>) target(%arg8 : memref<32x512xi32, #tpu.memory_space<vmem>>) offsets(%arg14 : memref<32xi32, #tpu.memory_space<vmem>>) semaphore(%arg17 : memref<!tpu.dma_semaphore, #tpu.memory_space<semaphore_mem>>)
    %dma_start3A_71 = arith.constant 0 : i32
    %dma_start3A_72 = arith.constant 0 : i32
    %dma_start3A_73 = tpu.memref_slice %arg2[%dma_start3A_71, %dma_start3A_72] : memref<11776x512xi32, #tpu.memory_space<hbm>> -> memref<11776x512xi32, #tpu.memory_space<hbm>>
    tpu.enqueue_indirect_dma source(%dma_start3A_73 : memref<11776x512xi32, #tpu.memory_space<hbm>>) target(%arg9 : memref<32x512xi32, #tpu.memory_space<vmem>>) offsets(%arg15 : memref<32xi32, #tpu.memory_space<vmem>>) semaphore(%arg17 : memref<!tpu.dma_semaphore, #tpu.memory_space<semaphore_mem>>)
    %add3A_74 = arith.constant 0 : i32
    %add3A_75 = arith.addi %mul3A_2, %add3A_74 : i32
    %dma_start3A_76 = arith.constant 0 : i32
    %dma_start3A_77 = tpu.memref_slice %arg4[%add3A_75, %dma_start3A_76] : memref<2048x512xi32, #tpu.memory_space<hbm>> -> memref<32x512xi32, #tpu.memory_space<hbm>>
    %dma_start3A_78 = arith.constant 0 : i32
    %dma_start3A_79 = tpu.memref_slice %arg4[%add3A_75, %dma_start3A_78] : memref<2048x512xi32, #tpu.memory_space<hbm>> -> memref<32x512xi32, #tpu.memory_space<hbm>>
    tpu.enqueue_dma source(%arg6 : memref<32x512xi32, #tpu.memory_space<vmem>>) target(%dma_start3A_79 : memref<32x512xi32, #tpu.memory_space<hbm>>) target_semaphore(%arg18 : memref<!tpu.dma_semaphore, #tpu.memory_space<semaphore_mem>>)
    %dma_start3A_80 = arith.constant 0 : i32
    %dma_start3A_81 = tpu.memref_slice %arg5[%add3A_75, %dma_start3A_80] : memref<2048x512xi32, #tpu.memory_space<hbm>> -> memref<32x512xi32, #tpu.memory_space<hbm>>
    %dma_start3A_82 = arith.constant 0 : i32
    %dma_start3A_83 = tpu.memref_slice %arg5[%add3A_75, %dma_start3A_82] : memref<2048x512xi32, #tpu.memory_space<hbm>> -> memref<32x512xi32, #tpu.memory_space<hbm>>
    tpu.enqueue_dma source(%arg7 : memref<32x512xi32, #tpu.memory_space<vmem>>) target(%dma_start3A_83 : memref<32x512xi32, #tpu.memory_space<hbm>>) target_semaphore(%arg18 : memref<!tpu.dma_semaphore, #tpu.memory_space<semaphore_mem>>)
    %dma_wait3A_84 = arith.constant 0 : i32
    %dma_wait3A_85 = arith.constant 0 : i32
    %dma_wait3A_86 = tpu.memref_slice %arg2[%dma_wait3A_84, %dma_wait3A_85] : memref<11776x512xi32, #tpu.memory_space<hbm>> -> memref<11776x512xi32, #tpu.memory_space<hbm>>
    tpu.wait_indirect_dma semaphore(%arg17 : memref<!tpu.dma_semaphore, #tpu.memory_space<semaphore_mem>>) src(%dma_wait3A_86 : memref<11776x512xi32, #tpu.memory_space<hbm>>) dst(%arg8 : memref<32x512xi32, #tpu.memory_space<vmem>>)
    %dma_wait3A_87 = arith.constant 0 : i32
    %dma_wait3A_88 = arith.constant 0 : i32
    %dma_wait3A_89 = tpu.memref_slice %arg2[%dma_wait3A_87, %dma_wait3A_88] : memref<11776x512xi32, #tpu.memory_space<hbm>> -> memref<11776x512xi32, #tpu.memory_space<hbm>>
    tpu.wait_indirect_dma semaphore(%arg17 : memref<!tpu.dma_semaphore, #tpu.memory_space<semaphore_mem>>) src(%dma_wait3A_89 : memref<11776x512xi32, #tpu.memory_space<hbm>>) dst(%arg9 : memref<32x512xi32, #tpu.memory_space<vmem>>)
    %add3A_90 = arith.constant 32 : i32
    %add3A_91 = arith.addi %mul3A_2, %add3A_90 : i32
    %dma_start3A_92 = arith.constant 0 : i32
    %dma_start3A_93 = tpu.memref_slice %arg4[%add3A_91, %dma_start3A_92] : memref<2048x512xi32, #tpu.memory_space<hbm>> -> memref<32x512xi32, #tpu.memory_space<hbm>>
    %dma_start3A_94 = arith.constant 0 : i32
    %dma_start3A_95 = tpu.memref_slice %arg4[%add3A_91, %dma_start3A_94] : memref<2048x512xi32, #tpu.memory_space<hbm>> -> memref<32x512xi32, #tpu.memory_space<hbm>>
    tpu.enqueue_dma source(%arg8 : memref<32x512xi32, #tpu.memory_space<vmem>>) target(%dma_start3A_95 : memref<32x512xi32, #tpu.memory_space<hbm>>) target_semaphore(%arg19 : memref<!tpu.dma_semaphore, #tpu.memory_space<semaphore_mem>>)
    %dma_start3A_96 = arith.constant 0 : i32
    %dma_start3A_97 = tpu.memref_slice %arg5[%add3A_91, %dma_start3A_96] : memref<2048x512xi32, #tpu.memory_space<hbm>> -> memref<32x512xi32, #tpu.memory_space<hbm>>
    %dma_start3A_98 = arith.constant 0 : i32
    %dma_start3A_99 = tpu.memref_slice %arg5[%add3A_91, %dma_start3A_98] : memref<2048x512xi32, #tpu.memory_space<hbm>> -> memref<32x512xi32, #tpu.memory_space<hbm>>
    tpu.enqueue_dma source(%arg9 : memref<32x512xi32, #tpu.memory_space<vmem>>) target(%dma_start3A_99 : memref<32x512xi32, #tpu.memory_space<hbm>>) target_semaphore(%arg19 : memref<!tpu.dma_semaphore, #tpu.memory_space<semaphore_mem>>)
    %dma_wait3A_100 = arith.constant 0 : i32
    %dma_wait3A_101 = tpu.memref_slice %arg4[%add3A_75, %dma_wait3A_100] : memref<2048x512xi32, #tpu.memory_space<hbm>> -> memref<32x512xi32, #tpu.memory_space<hbm>>
    %dma_wait3A_102 = arith.constant 0 : i32
    %dma_wait3A_103 = tpu.memref_slice %arg4[%add3A_75, %dma_wait3A_102] : memref<2048x512xi32, #tpu.memory_space<hbm>> -> memref<32x512xi32, #tpu.memory_space<hbm>>
    tpu.wait_dma2 semaphore(%arg18 : memref<!tpu.dma_semaphore, #tpu.memory_space<semaphore_mem>>) src(%arg6 : memref<32x512xi32, #tpu.memory_space<vmem>>) dst(%dma_wait3A_103 : memref<32x512xi32, #tpu.memory_space<hbm>>)
    %dma_wait3A_104 = arith.constant 0 : i32
    %dma_wait3A_105 = tpu.memref_slice %arg5[%add3A_75, %dma_wait3A_104] : memref<2048x512xi32, #tpu.memory_space<hbm>> -> memref<32x512xi32, #tpu.memory_space<hbm>>
    %dma_wait3A_106 = arith.constant 0 : i32
    %dma_wait3A_107 = tpu.memref_slice %arg5[%add3A_75, %dma_wait3A_106] : memref<2048x512xi32, #tpu.memory_space<hbm>> -> memref<32x512xi32, #tpu.memory_space<hbm>>
    tpu.wait_dma2 semaphore(%arg18 : memref<!tpu.dma_semaphore, #tpu.memory_space<semaphore_mem>>) src(%arg7 : memref<32x512xi32, #tpu.memory_space<vmem>>) dst(%dma_wait3A_107 : memref<32x512xi32, #tpu.memory_space<hbm>>)
    %dma_wait3A_108 = arith.constant 0 : i32
    %dma_wait3A_109 = tpu.memref_slice %arg4[%add3A_91, %dma_wait3A_108] : memref<2048x512xi32, #tpu.memory_space<hbm>> -> memref<32x512xi32, #tpu.memory_space<hbm>>
    %dma_wait3A_110 = arith.constant 0 : i32
    %dma_wait3A_111 = tpu.memref_slice %arg4[%add3A_91, %dma_wait3A_110] : memref<2048x512xi32, #tpu.memory_space<hbm>> -> memref<32x512xi32, #tpu.memory_space<hbm>>
    tpu.wait_dma2 semaphore(%arg19 : memref<!tpu.dma_semaphore, #tpu.memory_space<semaphore_mem>>) src(%arg8 : memref<32x512xi32, #tpu.memory_space<vmem>>) dst(%dma_wait3A_111 : memref<32x512xi32, #tpu.memory_space<hbm>>)
    %dma_wait3A_112 = arith.constant 0 : i32
    %dma_wait3A_113 = tpu.memref_slice %arg5[%add3A_91, %dma_wait3A_112] : memref<2048x512xi32, #tpu.memory_space<hbm>> -> memref<32x512xi32, #tpu.memory_space<hbm>>
    %dma_wait3A_114 = arith.constant 0 : i32
    %dma_wait3A_115 = tpu.memref_slice %arg5[%add3A_91, %dma_wait3A_114] : memref<2048x512xi32, #tpu.memory_space<hbm>> -> memref<32x512xi32, #tpu.memory_space<hbm>>
    tpu.wait_dma2 semaphore(%arg19 : memref<!tpu.dma_semaphore, #tpu.memory_space<semaphore_mem>>) src(%arg9 : memref<32x512xi32, #tpu.memory_space<vmem>>) dst(%dma_wait3A_115 : memref<32x512xi32, #tpu.memory_space<hbm>>)
    return
  }
}

#map = affine_map<(d0, d1) -> (0, 0)>
module attributes {stable_mosaic.version = 14 : i64} {
  func.func @k(%arg0: i32, %arg1: i32, %arg2: memref<2048x512xi32, #tpu.memory_space<hbm>>, %arg3: memref<2x2048xi32, #tpu.memory_space<hbm>>, %arg4: memref<11776x512xi32, #tpu.memory_space<hbm>>, %arg5: memref<64x512xi32, #tpu.memory_space<vmem>>, %arg6: memref<64xi32, #tpu.memory_space<vmem>>, %arg7: memref<64xi32, #tpu.memory_space<vmem>>, %arg8: memref<!tpu.dma_semaphore, #tpu.memory_space<semaphore_mem>>, %arg9: memref<!tpu.dma_semaphore, #tpu.memory_space<semaphore_mem>>) attributes {dimension_semantics = [#tpu.dimension_semantics<core_parallel>, #tpu.dimension_semantics<subcore_parallel>], iteration_bounds = array<i64: 2, 16>, scalar_prefetch = 0 : i64, scratch_operands = 5 : i64, tpu.core_type = #tpu.core_type<sc_vector_subcore>, window_params = [{transform_indices = #map}, {transform_indices = #map}, {transform_indices = #map}]} {
    %mul3A = arith.constant 2 : i32
    %mul3A_0 = arith.muli %arg1, %mul3A : i32
    %add3A = arith.addi %mul3A_0, %arg0 : i32
    %mul3A_1 = arith.constant 64 : i32
    %mul3A_2 = arith.muli %add3A, %mul3A_1 : i32
    %run_scoped3A = arith.constant 0 : i32
    "tpu.region"() ({
      %run_scoped3A_14 = tpu.sem_alloc : memref<!tpu.dma_semaphore, #tpu.memory_space<semaphore_mem>>
      %dma_start3A_15 = tpu.memref_slice %arg3[%run_scoped3A, %mul3A_2] : memref<2x2048xi32, #tpu.memory_space<hbm>> -> memref<1x64xi32, #tpu.memory_space<hbm>>
      %dma_start3A_16 = tpu.memref_squeeze %dma_start3A_15 : memref<1x64xi32, #tpu.memory_space<hbm>> -> memref<64xi32, #tpu.memory_space<hbm>>
      %dma_start3A_17 = tpu.memref_slice %arg3[%run_scoped3A, %mul3A_2] : memref<2x2048xi32, #tpu.memory_space<hbm>> -> memref<1x64xi32, #tpu.memory_space<hbm>>
      %dma_start3A_18 = tpu.memref_squeeze %dma_start3A_17 : memref<1x64xi32, #tpu.memory_space<hbm>> -> memref<64xi32, #tpu.memory_space<hbm>>
      tpu.enqueue_dma source(%dma_start3A_18 : memref<64xi32, #tpu.memory_space<hbm>>) target(%arg6 : memref<64xi32, #tpu.memory_space<vmem>>) target_semaphore(%run_scoped3A_14 : memref<!tpu.dma_semaphore, #tpu.memory_space<semaphore_mem>>)
      %dma_wait3A_19 = tpu.memref_slice %arg3[%run_scoped3A, %mul3A_2] : memref<2x2048xi32, #tpu.memory_space<hbm>> -> memref<1x64xi32, #tpu.memory_space<hbm>>
      %dma_wait3A_20 = tpu.memref_squeeze %dma_wait3A_19 : memref<1x64xi32, #tpu.memory_space<hbm>> -> memref<64xi32, #tpu.memory_space<hbm>>
      %dma_wait3A_21 = tpu.memref_slice %arg3[%run_scoped3A, %mul3A_2] : memref<2x2048xi32, #tpu.memory_space<hbm>> -> memref<1x64xi32, #tpu.memory_space<hbm>>
      %dma_wait3A_22 = tpu.memref_squeeze %dma_wait3A_21 : memref<1x64xi32, #tpu.memory_space<hbm>> -> memref<64xi32, #tpu.memory_space<hbm>>
      tpu.wait_dma2 semaphore(%run_scoped3A_14 : memref<!tpu.dma_semaphore, #tpu.memory_space<semaphore_mem>>) src(%dma_wait3A_22 : memref<64xi32, #tpu.memory_space<hbm>>) dst(%arg6 : memref<64xi32, #tpu.memory_space<vmem>>)
      tpu.yield
    }) : () -> ()
    %run_scoped3A_3 = arith.constant 1 : i32
    "tpu.region"() ({
      %run_scoped3A_14 = tpu.sem_alloc : memref<!tpu.dma_semaphore, #tpu.memory_space<semaphore_mem>>
      %dma_start3A_15 = tpu.memref_slice %arg3[%run_scoped3A_3, %mul3A_2] : memref<2x2048xi32, #tpu.memory_space<hbm>> -> memref<1x64xi32, #tpu.memory_space<hbm>>
      %dma_start3A_16 = tpu.memref_squeeze %dma_start3A_15 : memref<1x64xi32, #tpu.memory_space<hbm>> -> memref<64xi32, #tpu.memory_space<hbm>>
      %dma_start3A_17 = tpu.memref_slice %arg3[%run_scoped3A_3, %mul3A_2] : memref<2x2048xi32, #tpu.memory_space<hbm>> -> memref<1x64xi32, #tpu.memory_space<hbm>>
      %dma_start3A_18 = tpu.memref_squeeze %dma_start3A_17 : memref<1x64xi32, #tpu.memory_space<hbm>> -> memref<64xi32, #tpu.memory_space<hbm>>
      tpu.enqueue_dma source(%dma_start3A_18 : memref<64xi32, #tpu.memory_space<hbm>>) target(%arg7 : memref<64xi32, #tpu.memory_space<vmem>>) target_semaphore(%run_scoped3A_14 : memref<!tpu.dma_semaphore, #tpu.memory_space<semaphore_mem>>)
      %dma_wait3A_19 = tpu.memref_slice %arg3[%run_scoped3A_3, %mul3A_2] : memref<2x2048xi32, #tpu.memory_space<hbm>> -> memref<1x64xi32, #tpu.memory_space<hbm>>
      %dma_wait3A_20 = tpu.memref_squeeze %dma_wait3A_19 : memref<1x64xi32, #tpu.memory_space<hbm>> -> memref<64xi32, #tpu.memory_space<hbm>>
      %dma_wait3A_21 = tpu.memref_slice %arg3[%run_scoped3A_3, %mul3A_2] : memref<2x2048xi32, #tpu.memory_space<hbm>> -> memref<1x64xi32, #tpu.memory_space<hbm>>
      %dma_wait3A_22 = tpu.memref_squeeze %dma_wait3A_21 : memref<1x64xi32, #tpu.memory_space<hbm>> -> memref<64xi32, #tpu.memory_space<hbm>>
      tpu.wait_dma2 semaphore(%run_scoped3A_14 : memref<!tpu.dma_semaphore, #tpu.memory_space<semaphore_mem>>) src(%dma_wait3A_22 : memref<64xi32, #tpu.memory_space<hbm>>) dst(%arg7 : memref<64xi32, #tpu.memory_space<vmem>>)
      tpu.yield
    }) : () -> ()
    "tpu.region"() ({
      %run_scoped3A_14 = tpu.sem_alloc : memref<!tpu.dma_semaphore, #tpu.memory_space<semaphore_mem>>
      %dma_start3A_15 = arith.constant 0 : i32
      %dma_start3A_16 = tpu.memref_slice %arg2[%mul3A_2, %dma_start3A_15] : memref<2048x512xi32, #tpu.memory_space<hbm>> -> memref<64x512xi32, #tpu.memory_space<hbm>>
      %dma_start3A_17 = arith.constant 0 : i32
      %dma_start3A_18 = tpu.memref_slice %arg2[%mul3A_2, %dma_start3A_17] : memref<2048x512xi32, #tpu.memory_space<hbm>> -> memref<64x512xi32, #tpu.memory_space<hbm>>
      tpu.enqueue_dma source(%dma_start3A_18 : memref<64x512xi32, #tpu.memory_space<hbm>>) target(%arg5 : memref<64x512xi32, #tpu.memory_space<vmem>>) target_semaphore(%run_scoped3A_14 : memref<!tpu.dma_semaphore, #tpu.memory_space<semaphore_mem>>)
      %dma_wait3A_19 = arith.constant 0 : i32
      %dma_wait3A_20 = tpu.memref_slice %arg2[%mul3A_2, %dma_wait3A_19] : memref<2048x512xi32, #tpu.memory_space<hbm>> -> memref<64x512xi32, #tpu.memory_space<hbm>>
      %dma_wait3A_21 = arith.constant 0 : i32
      %dma_wait3A_22 = tpu.memref_slice %arg2[%mul3A_2, %dma_wait3A_21] : memref<2048x512xi32, #tpu.memory_space<hbm>> -> memref<64x512xi32, #tpu.memory_space<hbm>>
      tpu.wait_dma2 semaphore(%run_scoped3A_14 : memref<!tpu.dma_semaphore, #tpu.memory_space<semaphore_mem>>) src(%dma_wait3A_22 : memref<64x512xi32, #tpu.memory_space<hbm>>) dst(%arg5 : memref<64x512xi32, #tpu.memory_space<vmem>>)
      tpu.yield
    }) : () -> ()
    %dma_start3A = arith.constant 0 : i32
    %dma_start3A_4 = arith.constant 0 : i32
    %dma_start3A_5 = tpu.memref_slice %arg4[%dma_start3A, %dma_start3A_4] : memref<11776x512xi32, #tpu.memory_space<hbm>> -> memref<11776x512xi32, #tpu.memory_space<hbm>>
    tpu.enqueue_indirect_dma source(%arg5 : memref<64x512xi32, #tpu.memory_space<vmem>>) target(%dma_start3A_5 : memref<11776x512xi32, #tpu.memory_space<hbm>>) offsets(%arg6 : memref<64xi32, #tpu.memory_space<vmem>>) semaphore(%arg8 : memref<!tpu.dma_semaphore, #tpu.memory_space<semaphore_mem>>)
    %dma_start3A_6 = arith.constant 0 : i32
    %dma_start3A_7 = arith.constant 0 : i32
    %dma_start3A_8 = tpu.memref_slice %arg4[%dma_start3A_6, %dma_start3A_7] : memref<11776x512xi32, #tpu.memory_space<hbm>> -> memref<11776x512xi32, #tpu.memory_space<hbm>>
    tpu.enqueue_indirect_dma source(%arg5 : memref<64x512xi32, #tpu.memory_space<vmem>>) target(%dma_start3A_8 : memref<11776x512xi32, #tpu.memory_space<hbm>>) offsets(%arg7 : memref<64xi32, #tpu.memory_space<vmem>>) semaphore(%arg9 : memref<!tpu.dma_semaphore, #tpu.memory_space<semaphore_mem>>)
    %dma_wait3A = arith.constant 0 : i32
    %dma_wait3A_9 = arith.constant 0 : i32
    %dma_wait3A_10 = tpu.memref_slice %arg4[%dma_wait3A, %dma_wait3A_9] : memref<11776x512xi32, #tpu.memory_space<hbm>> -> memref<11776x512xi32, #tpu.memory_space<hbm>>
    tpu.wait_indirect_dma semaphore(%arg8 : memref<!tpu.dma_semaphore, #tpu.memory_space<semaphore_mem>>) src(%arg5 : memref<64x512xi32, #tpu.memory_space<vmem>>) dst(%dma_wait3A_10 : memref<11776x512xi32, #tpu.memory_space<hbm>>)
    %dma_wait3A_11 = arith.constant 0 : i32
    %dma_wait3A_12 = arith.constant 0 : i32
    %dma_wait3A_13 = tpu.memref_slice %arg4[%dma_wait3A_11, %dma_wait3A_12] : memref<11776x512xi32, #tpu.memory_space<hbm>> -> memref<11776x512xi32, #tpu.memory_space<hbm>>
    tpu.wait_indirect_dma semaphore(%arg9 : memref<!tpu.dma_semaphore, #tpu.memory_space<semaphore_mem>>) src(%arg5 : memref<64x512xi32, #tpu.memory_space<vmem>>) dst(%dma_wait3A_13 : memref<11776x512xi32, #tpu.memory_space<hbm>>)
    return
  }
}

module attributes {stable_mosaic.version = 14 : i64} {
  func.func @_fin_body(%arg0: memref<4096x16xf32, #tpu.memory_space<vmem>>, %arg1: memref<2048x512xi32, #tpu.memory_space<vmem>>, %arg2: memref<2048x512xi32, #tpu.memory_space<vmem>>, %arg3: memref<2048x1024xf32, #tpu.memory_space<vmem>>) attributes {dimension_semantics = [], scalar_prefetch = 0 : i64, scratch_operands = 0 : i64, tpu.core_type = #tpu.core_type<tc>} {
    %get3A = arith.constant 0 : index
    %get3A_0 = arith.constant 0 : index
    %get3A_1 = vector.load %arg0[%get3A, %get3A_0] : memref<4096x16xf32, #tpu.memory_space<vmem>>, vector<2048x1xf32>
    %get3A_2 = arith.constant 2048 : index
    %get3A_3 = arith.constant 0 : index
    %get3A_4 = vector.load %arg0[%get3A_2, %get3A_3] : memref<4096x16xf32, #tpu.memory_space<vmem>>, vector<2048x1xf32>
    %get3A_5 = arith.constant 0 : index
    %get3A_6 = arith.constant 0 : index
    %get3A_7 = vector.load %arg1[%get3A_5, %get3A_6] : memref<2048x512xi32, #tpu.memory_space<vmem>>, vector<2048x512xi32>
    %get3A_8 = arith.constant 0 : index
    %get3A_9 = arith.constant 0 : index
    %get3A_10 = vector.load %arg2[%get3A_8, %get3A_9] : memref<2048x512xi32, #tpu.memory_space<vmem>>, vector<2048x512xi32>
    %shift_left3A = arith.constant 16 : i32
    %shift_left3A_11 = vector.broadcast %shift_left3A : i32 to vector<2048x512xi32>
    %shift_left3A_12 = arith.shli %get3A_7, %shift_left3A_11 : vector<2048x512xi32>
    %bitcast_convert_type3A = tpu.bitcast %shift_left3A_12 : vector<2048x512xi32> -> vector<2048x512xf32>
    %and3A = arith.constant -65536 : i32
    %and3A_13 = vector.broadcast %and3A : i32 to vector<2048x512xi32>
    %and3A_14 = arith.andi %get3A_7, %and3A_13 : vector<2048x512xi32>
    %bitcast_convert_type3A_15 = tpu.bitcast %and3A_14 : vector<2048x512xi32> -> vector<2048x512xf32>
    %shift_left3A_16 = arith.constant 16 : i32
    %shift_left3A_17 = vector.broadcast %shift_left3A_16 : i32 to vector<2048x512xi32>
    %shift_left3A_18 = arith.shli %get3A_10, %shift_left3A_17 : vector<2048x512xi32>
    %bitcast_convert_type3A_19 = tpu.bitcast %shift_left3A_18 : vector<2048x512xi32> -> vector<2048x512xf32>
    %and3A_20 = arith.constant -65536 : i32
    %and3A_21 = vector.broadcast %and3A_20 : i32 to vector<2048x512xi32>
    %and3A_22 = arith.andi %get3A_10, %and3A_21 : vector<2048x512xi32>
    %bitcast_convert_type3A_23 = tpu.bitcast %and3A_22 : vector<2048x512xi32> -> vector<2048x512xf32>
    %mul3A = vector.broadcast %get3A_1 : vector<2048x1xf32> to vector<2048x512xf32>
    %mul3A_24 = arith.mulf %mul3A, %bitcast_convert_type3A : vector<2048x512xf32>
    %mul3A_25 = vector.broadcast %get3A_4 : vector<2048x1xf32> to vector<2048x512xf32>
    %mul3A_26 = arith.mulf %mul3A_25, %bitcast_convert_type3A_19 : vector<2048x512xf32>
    %add3A = arith.addf %mul3A_24, %mul3A_26 : vector<2048x512xf32>
    %mul3A_27 = vector.broadcast %get3A_1 : vector<2048x1xf32> to vector<2048x512xf32>
    %mul3A_28 = arith.mulf %mul3A_27, %bitcast_convert_type3A_15 : vector<2048x512xf32>
    %mul3A_29 = vector.broadcast %get3A_4 : vector<2048x1xf32> to vector<2048x512xf32>
    %mul3A_30 = arith.mulf %mul3A_29, %bitcast_convert_type3A_23 : vector<2048x512xf32>
    %add3A_31 = arith.addf %mul3A_28, %mul3A_30 : vector<2048x512xf32>
    %concatenate3A = tpu.concatenate %add3A, %add3A_31 in 1 : vector<2048x512xf32>, vector<2048x512xf32> -> vector<2048x1024xf32>
    %swap3A = arith.constant 0 : index
    %swap3A_32 = arith.constant 0 : index
    %swap3A_33 = vector.load %arg3[%swap3A, %swap3A_32] : memref<2048x1024xf32, #tpu.memory_space<vmem>>, vector<2048x1024xf32>
    tpu.vector_store %arg3[%swap3A, %swap3A_32], %concatenate3A {strides = array<i32>} : memref<2048x1024xf32, #tpu.memory_space<vmem>>, vector<2048x1024xf32>,
    return
  }
}

module attributes {stable_mosaic.version = 14 : i64} {
  func.func @_ffn_body(%arg0: i32, %arg1: memref<3x64xi32, #tpu.memory_space<smem>>, %arg2: memref<512x512xi32, #tpu.memory_space<vmem>>, %arg3: memref<1x512x1024xf32, #tpu.memory_space<vmem>>, %arg4: memref<1x512x1024xf32, #tpu.memory_space<vmem>>, %arg5: memref<1x1024x512xf32, #tpu.memory_space<vmem>>, %arg6: memref<512x512xi32, #tpu.memory_space<vmem>>) attributes {dimension_semantics = [#tpu.dimension_semantics<arbitrary>], iteration_bounds = array<i64: 23>, scalar_prefetch = 1 : i64, scratch_operands = 0 : i64, tpu.core_type = #tpu.core_type<tc>, window_params = [{transform_indices = @transform_0, window_bounds = array<i64: 512, 512>}, {transform_indices = @transform_1, window_bounds = array<i64: 1, 512, 1024>}, {transform_indices = @transform_2, window_bounds = array<i64: 1, 512, 1024>}, {transform_indices = @transform_3, window_bounds = array<i64: 1, 1024, 512>}, {transform_indices = @transform_4, window_bounds = array<i64: 512, 512>}]} {
    %get3A = arith.constant 1 : index
    %get3A_0 = arith.index_cast %arg0 : i32 to index
    %get3A_1 = memref.load %arg1[%get3A, %get3A_0] : memref<3x64xi32, #tpu.memory_space<smem>>
    %eq3A = arith.constant 1 : i32
    %eq3A_2 = arith.cmpi eq, %get3A_1, %eq3A : i32
    %convert_element_type3A = arith.extui %eq3A_2 : i1 to i32
    %cond3A = arith.constant 0 : i32
    %cond3A_3 = arith.cmpi ne, %convert_element_type3A, %cond3A : i32
    scf.if %cond3A_3 {
      %get3A_4 = arith.constant 0 : index
      %get3A_5 = arith.constant 0 : index
      %get3A_6 = vector.load %arg2[%get3A_4, %get3A_5] : memref<512x512xi32, #tpu.memory_space<vmem>>, vector<512x512xi32>
      %shift_left3A = arith.constant 16 : i32
      %shift_left3A_7 = vector.broadcast %shift_left3A : i32 to vector<512x512xi32>
      %shift_left3A_8 = arith.shli %get3A_6, %shift_left3A_7 : vector<512x512xi32>
      %bitcast_convert_type3A = tpu.bitcast %shift_left3A_8 : vector<512x512xi32> -> vector<512x512xf32>
      %and3A = arith.constant -65536 : i32
      %and3A_9 = vector.broadcast %and3A : i32 to vector<512x512xi32>
      %and3A_10 = arith.andi %get3A_6, %and3A_9 : vector<512x512xi32>
      %bitcast_convert_type3A_11 = tpu.bitcast %and3A_10 : vector<512x512xi32> -> vector<512x512xf32>
      %concatenate3A = tpu.concatenate %bitcast_convert_type3A, %bitcast_convert_type3A_11 in 1 : vector<512x512xf32>, vector<512x512xf32> -> vector<512x1024xf32>
      %get3A_12 = arith.constant 0 : index
      %get3A_13 = arith.constant 0 : index
      %get3A_14 = arith.constant 0 : index
      %get3A_15 = vector.load %arg3[%get3A_12, %get3A_13, %get3A_14] : memref<1x512x1024xf32, #tpu.memory_space<vmem>>, vector<1x512x1024xf32>
      %get3A_16 = vector.shape_cast %get3A_15 : vector<1x512x1024xf32> to vector<512x1024xf32>
      %dot_general3A = arith.constant dense<0.000000e+00> : vector<512x512xf32>
      %dot_general3A_17 = tpu.matmul %concatenate3A, %get3A_16, %dot_general3A {dimension_numbers = #tpu.dot_dimension_numbers<[1], [1], [0], [0], [0, 0, 1, 0], [], []>, transpose_lhs_hint = false} : vector<512x1024xf32>, vector<512x1024xf32>, vector<512x512xf32> -> vector<512x512xf32>
      %get3A_18 = arith.constant 0 : index
      %get3A_19 = arith.constant 0 : index
      %get3A_20 = arith.constant 0 : index
      %get3A_21 = vector.load %arg4[%get3A_18, %get3A_19, %get3A_20] : memref<1x512x1024xf32, #tpu.memory_space<vmem>>, vector<1x512x1024xf32>
      %get3A_22 = vector.shape_cast %get3A_21 : vector<1x512x1024xf32> to vector<512x1024xf32>
      %dot_general3A_23 = arith.constant dense<0.000000e+00> : vector<512x512xf32>
      %dot_general3A_24 = tpu.matmul %concatenate3A, %get3A_22, %dot_general3A_23 {dimension_numbers = #tpu.dot_dimension_numbers<[1], [1], [0], [0], [0, 0, 1, 0], [], []>, transpose_lhs_hint = false} : vector<512x1024xf32>, vector<512x1024xf32>, vector<512x512xf32> -> vector<512x512xf32>
      %logistic3A = arith.negf %dot_general3A_17 : vector<512x512xf32>
      %logistic3A_25 = math.exp %logistic3A : vector<512x512xf32>
      %logistic3A_26 = arith.constant 1.000000e+00 : f32
      %logistic3A_27 = vector.broadcast %logistic3A_26 : f32 to vector<512x512xf32>
      %logistic3A_28 = arith.addf %logistic3A_27, %logistic3A_25 : vector<512x512xf32>
      %logistic3A_29 = arith.divf %logistic3A_27, %logistic3A_28 : vector<512x512xf32>
      %mul3A = arith.mulf %dot_general3A_17, %logistic3A_29 : vector<512x512xf32>
      %mul3A_30 = arith.mulf %mul3A, %dot_general3A_24 : vector<512x512xf32>
      %get3A_31 = arith.constant 0 : index
      %get3A_32 = arith.constant 0 : index
      %get3A_33 = arith.constant 0 : index
      %get3A_34 = vector.load %arg5[%get3A_31, %get3A_32, %get3A_33] : memref<1x1024x512xf32, #tpu.memory_space<vmem>>, vector<1x1024x512xf32>
      %get3A_35 = vector.shape_cast %get3A_34 : vector<1x1024x512xf32> to vector<1024x512xf32>
      %dot_general3A_36 = arith.constant dense<0.000000e+00> : vector<512x1024xf32>
      %dot_general3A_37 = tpu.matmul %mul3A_30, %get3A_35, %dot_general3A_36 {dimension_numbers = #tpu.dot_dimension_numbers<[1], [1], [0], [0], [0, 0, 1, 0], [], []>, transpose_lhs_hint = false} : vector<512x512xf32>, vector<1024x512xf32>, vector<512x1024xf32> -> vector<512x1024xf32>
      %slice3A = vector.extract_strided_slice %dot_general3A_37 {offsets = [0, 0], sizes = [512, 512], strides = [1, 1]} : vector<512x1024xf32> to vector<512x512xf32>
      %bitcast_convert_type3A_38 = tpu.bitcast %slice3A : vector<512x512xf32> -> vector<512x512xi32>
      %add3A = arith.constant 32768 : i32
      %add3A_39 = vector.broadcast %add3A : i32 to vector<512x512xi32>
      %add3A_40 = arith.addi %bitcast_convert_type3A_38, %add3A_39 : vector<512x512xi32>
      %slice3A_41 = vector.extract_strided_slice %dot_general3A_37 {offsets = [0, 512], sizes = [512, 512], strides = [1, 1]} : vector<512x1024xf32> to vector<512x512xf32>
      %bitcast_convert_type3A_42 = tpu.bitcast %slice3A_41 : vector<512x512xf32> -> vector<512x512xi32>
      %add3A_43 = arith.constant 32768 : i32
      %add3A_44 = vector.broadcast %add3A_43 : i32 to vector<512x512xi32>
      %add3A_45 = arith.addi %bitcast_convert_type3A_42, %add3A_44 : vector<512x512xi32>
      %shift_right_logical3A = arith.constant 16 : i32
      %shift_right_logical3A_46 = vector.broadcast %shift_right_logical3A : i32 to vector<512x512xi32>
      %shift_right_logical3A_47 = arith.shrui %add3A_40, %shift_right_logical3A_46 : vector<512x512xi32>
      %and3A_48 = arith.constant -65536 : i32
      %and3A_49 = vector.broadcast %and3A_48 : i32 to vector<512x512xi32>
      %and3A_50 = arith.andi %add3A_45, %and3A_49 : vector<512x512xi32>
      %or3A = arith.ori %shift_right_logical3A_47, %and3A_50 : vector<512x512xi32>
      %swap3A = arith.constant 0 : index
      %swap3A_51 = arith.constant 0 : index
      %swap3A_52 = vector.load %arg6[%swap3A, %swap3A_51] : memref<512x512xi32, #tpu.memory_space<vmem>>, vector<512x512xi32>
      tpu.vector_store %arg6[%swap3A, %swap3A_51], %or3A {strides = array<i32>} : memref<512x512xi32, #tpu.memory_space<vmem>>, vector<512x512xi32>,
    } else {
    }
    return
  }
  func.func @transform_0(%arg0: i32, %arg1: memref<3x64xi32, #tpu.memory_space<smem>>) -> (i32, i32) {
    %get3A = arith.constant 2 : index
    %get3A_0 = arith.index_cast %arg0 : i32 to index
    %get3A_1 = memref.load %arg1[%get3A, %get3A_0] : memref<3x64xi32, #tpu.memory_space<smem>>
    %c0_i32 = arith.constant 0 : i32
    %c0_i32_2 = arith.constant 0 : i32
    return %get3A_1, %c0_i32 : i32, i32
  }
  func.func @transform_1(%arg0: i32, %arg1: memref<3x64xi32, #tpu.memory_space<smem>>) -> (i32, i32, i32) {
    %get3A = arith.constant 0 : index
    %get3A_0 = arith.index_cast %arg0 : i32 to index
    %get3A_1 = memref.load %arg1[%get3A, %get3A_0] : memref<3x64xi32, #tpu.memory_space<smem>>
    %c0_i32 = arith.constant 0 : i32
    %c0_i32_2 = arith.constant 0 : i32
    %c0_i32_3 = arith.constant 0 : i32
    return %get3A_1, %c0_i32, %c0_i32_2 : i32, i32, i32
  }
  func.func @transform_2(%arg0: i32, %arg1: memref<3x64xi32, #tpu.memory_space<smem>>) -> (i32, i32, i32) {
    %get3A = arith.constant 0 : index
    %get3A_0 = arith.index_cast %arg0 : i32 to index
    %get3A_1 = memref.load %arg1[%get3A, %get3A_0] : memref<3x64xi32, #tpu.memory_space<smem>>
    %c0_i32 = arith.constant 0 : i32
    %c0_i32_2 = arith.constant 0 : i32
    %c0_i32_3 = arith.constant 0 : i32
    return %get3A_1, %c0_i32, %c0_i32_2 : i32, i32, i32
  }
  func.func @transform_3(%arg0: i32, %arg1: memref<3x64xi32, #tpu.memory_space<smem>>) -> (i32, i32, i32) {
    %get3A = arith.constant 0 : index
    %get3A_0 = arith.index_cast %arg0 : i32 to index
    %get3A_1 = memref.load %arg1[%get3A, %get3A_0] : memref<3x64xi32, #tpu.memory_space<smem>>
    %c0_i32 = arith.constant 0 : i32
    %c0_i32_2 = arith.constant 0 : i32
    %c0_i32_3 = arith.constant 0 : i32
    return %get3A_1, %c0_i32, %c0_i32_2 : i32, i32, i32
  }
  func.func @transform_4(%arg0: i32, %arg1: memref<3x64xi32, #tpu.memory_space<smem>>) -> (i32, i32) {
    %get3A = arith.constant 2 : index
    %get3A_0 = arith.index_cast %arg0 : i32 to index
    %get3A_1 = memref.load %arg1[%get3A, %get3A_0] : memref<3x64xi32, #tpu.memory_space<smem>>
    %c0_i32 = arith.constant 0 : i32
    %c0_i32_2 = arith.constant 0 : i32
    return %get3A_1, %c0_i32 : i32, i32
  }
}

module attributes {stable_mosaic.version = 14 : i64} {
  func.func @_router_body(%arg0: memref<2048x1024xf32, #tpu.memory_space<vmem>>, %arg1: memref<16x1024xf32, #tpu.memory_space<vmem>>, %arg2: memref<2x2048xi32, #tpu.memory_space<vmem>>, %arg3: memref<3x64xi32, #tpu.memory_space<vmem>>, %arg4: memref<4096x16xf32, #tpu.memory_space<vmem>>, %arg5: memref<2048x512xi32, #tpu.memory_space<vmem>>) attributes {dimension_semantics = [], scalar_prefetch = 0 : i64, scratch_operands = 0 : i64, tpu.core_type = #tpu.core_type<tc>} {
    %get3A = arith.constant 0 : index
    %get3A_0 = arith.constant 0 : index
    %get3A_1 = vector.load %arg0[%get3A, %get3A_0] : memref<2048x1024xf32, #tpu.memory_space<vmem>>, vector<2048x1024xf32>
    %get3A_2 = arith.constant 0 : index
    %get3A_3 = arith.constant 0 : index
    %get3A_4 = vector.load %arg1[%get3A_2, %get3A_3] : memref<16x1024xf32, #tpu.memory_space<vmem>>, vector<16x1024xf32>
    %dot_general3A = arith.constant dense<0.000000e+00> : vector<2048x16xf32>
    %dot_general3A_5 = tpu.matmul %get3A_1, %get3A_4, %dot_general3A {dimension_numbers = #tpu.dot_dimension_numbers<[1], [1], [0], [0], [0, 0, 1, 0], [], []>, transpose_lhs_hint = false} : vector<2048x1024xf32>, vector<16x1024xf32>, vector<2048x16xf32> -> vector<2048x16xf32>
    %iota3A = tpu.iota {dimensions = array<i32: 1>} : vector<2048x16xi32>
    %reduce_max3A = arith.constant dense<0xFF800000> : vector<2048xf32>
    %reduce_max3A_6 = vector.multi_reduction <maximumf>, %dot_general3A_5, %reduce_max3A [1] : vector<2048x16xf32> to vector<2048xf32>
    %broadcast_in_dim3A = vector.shape_cast %reduce_max3A_6 : vector<2048xf32> to vector<2048x1xf32>
    %eq3A = vector.broadcast %broadcast_in_dim3A : vector<2048x1xf32> to vector<2048x16xf32>
    %eq3A_7 = arith.cmpf oeq, %dot_general3A_5, %eq3A : vector<2048x16xf32>
    %jit3A = arith.constant 16 : i32
    %broadcast_in_dim3A_8 = vector.broadcast %jit3A : i32 to vector<2048x16xi32>
    %select_n3A = arith.select %eq3A_7, %iota3A, %broadcast_in_dim3A_8 : vector<2048x16xi1>, vector<2048x16xi32>
    %reduce_min3A = arith.constant dense<2147483647> : vector<2048xi32>
    %reduce_min3A_9 = vector.multi_reduction <minsi>, %select_n3A, %reduce_min3A [1] : vector<2048x16xi32> to vector<2048xi32>
    %broadcast_in_dim3A_10 = vector.shape_cast %reduce_min3A_9 : vector<2048xi32> to vector<2048x1xi32>
    %eq3A_11 = vector.broadcast %broadcast_in_dim3A_10 : vector<2048x1xi32> to vector<2048x16xi32>
    %eq3A_12 = arith.cmpi eq, %iota3A, %eq3A_11 : vector<2048x16xi32>
    %jit3A_13 = arith.constant 0xFF800000 : f32
    %broadcast_in_dim3A_14 = vector.broadcast %jit3A_13 : f32 to vector<2048x16xf32>
    %select_n3A_15 = arith.select %eq3A_12, %broadcast_in_dim3A_14, %dot_general3A_5 : vector<2048x16xi1>, vector<2048x16xf32>
    %reduce_max3A_16 = arith.constant dense<0xFF800000> : vector<2048xf32>
    %reduce_max3A_17 = vector.multi_reduction <maximumf>, %select_n3A_15, %reduce_max3A_16 [1] : vector<2048x16xf32> to vector<2048xf32>
    %broadcast_in_dim3A_18 = vector.shape_cast %reduce_max3A_17 : vector<2048xf32> to vector<2048x1xf32>
    %eq3A_19 = vector.broadcast %broadcast_in_dim3A_18 : vector<2048x1xf32> to vector<2048x16xf32>
    %eq3A_20 = arith.cmpf oeq, %select_n3A_15, %eq3A_19 : vector<2048x16xf32>
    %jit3A_21 = arith.constant 16 : i32
    %broadcast_in_dim3A_22 = vector.broadcast %jit3A_21 : i32 to vector<2048x16xi32>
    %select_n3A_23 = arith.select %eq3A_20, %iota3A, %broadcast_in_dim3A_22 : vector<2048x16xi1>, vector<2048x16xi32>
    %reduce_min3A_24 = arith.constant dense<2147483647> : vector<2048xi32>
    %reduce_min3A_25 = vector.multi_reduction <minsi>, %select_n3A_23, %reduce_min3A_24 [1] : vector<2048x16xi32> to vector<2048xi32>
    %broadcast_in_dim3A_26 = vector.shape_cast %reduce_min3A_25 : vector<2048xi32> to vector<2048x1xi32>
    %sub3A = arith.subf %broadcast_in_dim3A_18, %broadcast_in_dim3A : vector<2048x1xf32>
    %exp3A = math.exp %sub3A : vector<2048x1xf32>
    %add3A = arith.constant 1.000000e+00 : f32
    %add3A_27 = vector.broadcast %add3A : f32 to vector<2048x1xf32>
    %add3A_28 = arith.addf %add3A_27, %exp3A : vector<2048x1xf32>
    %div3A = arith.constant 1.000000e+00 : f32
    %div3A_29 = vector.broadcast %div3A : f32 to vector<2048x1xf32>
    %div3A_30 = arith.divf %div3A_29, %add3A_28 : vector<2048x1xf32>
    %sub3A_31 = arith.constant 1.000000e+00 : f32
    %sub3A_32 = vector.broadcast %sub3A_31 : f32 to vector<2048x1xf32>
    %sub3A_33 = arith.subf %sub3A_32, %div3A_30 : vector<2048x1xf32>
    %broadcast_in_dim3A_34 = vector.shape_cast %div3A_30 : vector<2048x1xf32> to vector<2048x1xf32>
    %broadcast_in_dim3A_35 = vector.broadcast %broadcast_in_dim3A_34 : vector<2048x1xf32> to vector<2048x16xf32>
    %swap3A = arith.constant 0 : index
    %swap3A_36 = arith.constant 0 : index
    %swap3A_37 = vector.load %arg4[%swap3A, %swap3A_36] : memref<4096x16xf32, #tpu.memory_space<vmem>>, vector<2048x16xf32>
    tpu.vector_store %arg4[%swap3A, %swap3A_36], %broadcast_in_dim3A_35 {strides = array<i32>} : memref<4096x16xf32, #tpu.memory_space<vmem>>, vector<2048x16xf32>,
    %broadcast_in_dim3A_38 = vector.shape_cast %sub3A_33 : vector<2048x1xf32> to vector<2048x1xf32>
    %broadcast_in_dim3A_39 = vector.broadcast %broadcast_in_dim3A_38 : vector<2048x1xf32> to vector<2048x16xf32>
    %swap3A_40 = arith.constant 2048 : index
    %swap3A_41 = arith.constant 0 : index
    %swap3A_42 = vector.load %arg4[%swap3A_40, %swap3A_41] : memref<4096x16xf32, #tpu.memory_space<vmem>>, vector<2048x16xf32>
    tpu.vector_store %arg4[%swap3A_40, %swap3A_41], %broadcast_in_dim3A_39 {strides = array<i32>} : memref<4096x16xf32, #tpu.memory_space<vmem>>, vector<2048x16xf32>,
    %slice3A = vector.extract_strided_slice %get3A_1 {offsets = [0, 0], sizes = [2048, 512], strides = [1, 1]} : vector<2048x1024xf32> to vector<2048x512xf32>
    %bitcast_convert_type3A = tpu.bitcast %slice3A : vector<2048x512xf32> -> vector<2048x512xi32>
    %add3A_43 = arith.constant 32768 : i32
    %add3A_44 = vector.broadcast %add3A_43 : i32 to vector<2048x512xi32>
    %add3A_45 = arith.addi %bitcast_convert_type3A, %add3A_44 : vector<2048x512xi32>
    %slice3A_46 = vector.extract_strided_slice %get3A_1 {offsets = [0, 512], sizes = [2048, 512], strides = [1, 1]} : vector<2048x1024xf32> to vector<2048x512xf32>
    %bitcast_convert_type3A_47 = tpu.bitcast %slice3A_46 : vector<2048x512xf32> -> vector<2048x512xi32>
    %add3A_48 = arith.constant 32768 : i32
    %add3A_49 = vector.broadcast %add3A_48 : i32 to vector<2048x512xi32>
    %add3A_50 = arith.addi %bitcast_convert_type3A_47, %add3A_49 : vector<2048x512xi32>
    %shift_right_logical3A = arith.constant 16 : i32
    %shift_right_logical3A_51 = vector.broadcast %shift_right_logical3A : i32 to vector<2048x512xi32>
    %shift_right_logical3A_52 = arith.shrui %add3A_45, %shift_right_logical3A_51 : vector<2048x512xi32>
    %and3A = arith.constant -65536 : i32
    %and3A_53 = vector.broadcast %and3A : i32 to vector<2048x512xi32>
    %and3A_54 = arith.andi %add3A_50, %and3A_53 : vector<2048x512xi32>
    %or3A = arith.ori %shift_right_logical3A_52, %and3A_54 : vector<2048x512xi32>
    %swap3A_55 = arith.constant 0 : index
    %swap3A_56 = arith.constant 0 : index
    %swap3A_57 = vector.load %arg5[%swap3A_55, %swap3A_56] : memref<2048x512xi32, #tpu.memory_space<vmem>>, vector<2048x512xi32>
    tpu.vector_store %arg5[%swap3A_55, %swap3A_56], %or3A {strides = array<i32>} : memref<2048x512xi32, #tpu.memory_space<vmem>>, vector<2048x512xi32>,
    %eq3A_58 = vector.broadcast %broadcast_in_dim3A_10 : vector<2048x1xi32> to vector<2048x16xi32>
    %eq3A_59 = arith.cmpi eq, %iota3A, %eq3A_58 : vector<2048x16xi32>
    %convert_element_type3A = arith.extui %eq3A_59 : vector<2048x16xi1> to vector<2048x16xi32>
    %convert_element_type3A_60 = arith.sitofp %convert_element_type3A : vector<2048x16xi32> to vector<2048x16xf32>
    %eq3A_61 = vector.broadcast %broadcast_in_dim3A_26 : vector<2048x1xi32> to vector<2048x16xi32>
    %eq3A_62 = arith.cmpi eq, %iota3A, %eq3A_61 : vector<2048x16xi32>
    %convert_element_type3A_63 = arith.extui %eq3A_62 : vector<2048x16xi1> to vector<2048x16xi32>
    %convert_element_type3A_64 = arith.sitofp %convert_element_type3A_63 : vector<2048x16xi32> to vector<2048x16xf32>
    %iota3A_65 = tpu.iota {dimensions = array<i32: 0>} : vector<256x256xi32>
    %iota3A_66 = tpu.iota {dimensions = array<i32: 1>} : vector<256x256xi32>
    %gt3A = arith.cmpi sgt, %iota3A_65, %iota3A_66 : vector<256x256xi32>
    %convert_element_type3A_67 = arith.extui %gt3A : vector<256x256xi1> to vector<256x256xi32>
    %convert_element_type3A_68 = arith.sitofp %convert_element_type3A_67 : vector<256x256xi32> to vector<256x256xf32>
    %broadcast_in_dim3A_69 = arith.constant 0.000000e+00 : f32
    %broadcast_in_dim3A_70 = vector.broadcast %broadcast_in_dim3A_69 : f32 to vector<1x16xf32>
    %slice3A_71 = vector.extract_strided_slice %convert_element_type3A_60 {offsets = [0, 0], sizes = [256, 16], strides = [1, 1]} : vector<2048x16xf32> to vector<256x16xf32>
    %dot_general3A_72 = arith.constant dense<0.000000e+00> : vector<256x16xf32>
    %dot_general3A_73 = tpu.matmul %convert_element_type3A_68, %slice3A_71, %dot_general3A_72 {dimension_numbers = #tpu.dot_dimension_numbers<[1], [0], [0], [1], [0, 0, 1, 1], [], []>, transpose_lhs_hint = false} : vector<256x256xf32>, vector<256x16xf32>, vector<256x16xf32> -> vector<256x16xf32>
    %add3A_74 = vector.broadcast %broadcast_in_dim3A_70 : vector<1x16xf32> to vector<256x16xf32>
    %add3A_75 = arith.addf %dot_general3A_73, %add3A_74 : vector<256x16xf32>
    %reduce_sum3A = arith.constant dense<0.000000e+00> : vector<16xf32>
    %reduce_sum3A_76 = vector.multi_reduction <add>, %slice3A_71, %reduce_sum3A [0] : vector<256x16xf32> to vector<16xf32>
    %broadcast_in_dim3A_77 = vector.shape_cast %reduce_sum3A_76 : vector<16xf32> to vector<1x16xf32>
    %add3A_78 = arith.addf %broadcast_in_dim3A_70, %broadcast_in_dim3A_77 : vector<1x16xf32>
    %slice3A_79 = vector.extract_strided_slice %convert_element_type3A_60 {offsets = [256, 0], sizes = [256, 16], strides = [1, 1]} : vector<2048x16xf32> to vector<256x16xf32>
    %dot_general3A_80 = arith.constant dense<0.000000e+00> : vector<256x16xf32>
    %dot_general3A_81 = tpu.matmul %convert_element_type3A_68, %slice3A_79, %dot_general3A_80 {dimension_numbers = #tpu.dot_dimension_numbers<[1], [0], [0], [1], [0, 0, 1, 1], [], []>, transpose_lhs_hint = false} : vector<256x256xf32>, vector<256x16xf32>, vector<256x16xf32> -> vector<256x16xf32>
    %add3A_82 = vector.broadcast %add3A_78 : vector<1x16xf32> to vector<256x16xf32>
    %add3A_83 = arith.addf %dot_general3A_81, %add3A_82 : vector<256x16xf32>
    %reduce_sum3A_84 = arith.constant dense<0.000000e+00> : vector<16xf32>
    %reduce_sum3A_85 = vector.multi_reduction <add>, %slice3A_79, %reduce_sum3A_84 [0] : vector<256x16xf32> to vector<16xf32>
    %broadcast_in_dim3A_86 = vector.shape_cast %reduce_sum3A_85 : vector<16xf32> to vector<1x16xf32>
    %add3A_87 = arith.addf %add3A_78, %broadcast_in_dim3A_86 : vector<1x16xf32>
    %slice3A_88 = vector.extract_strided_slice %convert_element_type3A_60 {offsets = [512, 0], sizes = [256, 16], strides = [1, 1]} : vector<2048x16xf32> to vector<256x16xf32>
    %dot_general3A_89 = arith.constant dense<0.000000e+00> : vector<256x16xf32>
    %dot_general3A_90 = tpu.matmul %convert_element_type3A_68, %slice3A_88, %dot_general3A_89 {dimension_numbers = #tpu.dot_dimension_numbers<[1], [0], [0], [1], [0, 0, 1, 1], [], []>, transpose_lhs_hint = false} : vector<256x256xf32>, vector<256x16xf32>, vector<256x16xf32> -> vector<256x16xf32>
    %add3A_91 = vector.broadcast %add3A_87 : vector<1x16xf32> to vector<256x16xf32>
    %add3A_92 = arith.addf %dot_general3A_90, %add3A_91 : vector<256x16xf32>
    %reduce_sum3A_93 = arith.constant dense<0.000000e+00> : vector<16xf32>
    %reduce_sum3A_94 = vector.multi_reduction <add>, %slice3A_88, %reduce_sum3A_93 [0] : vector<256x16xf32> to vector<16xf32>
    %broadcast_in_dim3A_95 = vector.shape_cast %reduce_sum3A_94 : vector<16xf32> to vector<1x16xf32>
    %add3A_96 = arith.addf %add3A_87, %broadcast_in_dim3A_95 : vector<1x16xf32>
    %slice3A_97 = vector.extract_strided_slice %convert_element_type3A_60 {offsets = [768, 0], sizes = [256, 16], strides = [1, 1]} : vector<2048x16xf32> to vector<256x16xf32>
    %dot_general3A_98 = arith.constant dense<0.000000e+00> : vector<256x16xf32>
    %dot_general3A_99 = tpu.matmul %convert_element_type3A_68, %slice3A_97, %dot_general3A_98 {dimension_numbers = #tpu.dot_dimension_numbers<[1], [0], [0], [1], [0, 0, 1, 1], [], []>, transpose_lhs_hint = false} : vector<256x256xf32>, vector<256x16xf32>, vector<256x16xf32> -> vector<256x16xf32>
    %add3A_100 = vector.broadcast %add3A_96 : vector<1x16xf32> to vector<256x16xf32>
    %add3A_101 = arith.addf %dot_general3A_99, %add3A_100 : vector<256x16xf32>
    %reduce_sum3A_102 = arith.constant dense<0.000000e+00> : vector<16xf32>
    %reduce_sum3A_103 = vector.multi_reduction <add>, %slice3A_97, %reduce_sum3A_102 [0] : vector<256x16xf32> to vector<16xf32>
    %broadcast_in_dim3A_104 = vector.shape_cast %reduce_sum3A_103 : vector<16xf32> to vector<1x16xf32>
    %add3A_105 = arith.addf %add3A_96, %broadcast_in_dim3A_104 : vector<1x16xf32>
    %slice3A_106 = vector.extract_strided_slice %convert_element_type3A_60 {offsets = [1024, 0], sizes = [256, 16], strides = [1, 1]} : vector<2048x16xf32> to vector<256x16xf32>
    %dot_general3A_107 = arith.constant dense<0.000000e+00> : vector<256x16xf32>
    %dot_general3A_108 = tpu.matmul %convert_element_type3A_68, %slice3A_106, %dot_general3A_107 {dimension_numbers = #tpu.dot_dimension_numbers<[1], [0], [0], [1], [0, 0, 1, 1], [], []>, transpose_lhs_hint = false} : vector<256x256xf32>, vector<256x16xf32>, vector<256x16xf32> -> vector<256x16xf32>
    %add3A_109 = vector.broadcast %add3A_105 : vector<1x16xf32> to vector<256x16xf32>
    %add3A_110 = arith.addf %dot_general3A_108, %add3A_109 : vector<256x16xf32>
    %reduce_sum3A_111 = arith.constant dense<0.000000e+00> : vector<16xf32>
    %reduce_sum3A_112 = vector.multi_reduction <add>, %slice3A_106, %reduce_sum3A_111 [0] : vector<256x16xf32> to vector<16xf32>
    %broadcast_in_dim3A_113 = vector.shape_cast %reduce_sum3A_112 : vector<16xf32> to vector<1x16xf32>
    %add3A_114 = arith.addf %add3A_105, %broadcast_in_dim3A_113 : vector<1x16xf32>
    %slice3A_115 = vector.extract_strided_slice %convert_element_type3A_60 {offsets = [1280, 0], sizes = [256, 16], strides = [1, 1]} : vector<2048x16xf32> to vector<256x16xf32>
    %dot_general3A_116 = arith.constant dense<0.000000e+00> : vector<256x16xf32>
    %dot_general3A_117 = tpu.matmul %convert_element_type3A_68, %slice3A_115, %dot_general3A_116 {dimension_numbers = #tpu.dot_dimension_numbers<[1], [0], [0], [1], [0, 0, 1, 1], [], []>, transpose_lhs_hint = false} : vector<256x256xf32>, vector<256x16xf32>, vector<256x16xf32> -> vector<256x16xf32>
    %add3A_118 = vector.broadcast %add3A_114 : vector<1x16xf32> to vector<256x16xf32>
    %add3A_119 = arith.addf %dot_general3A_117, %add3A_118 : vector<256x16xf32>
    %reduce_sum3A_120 = arith.constant dense<0.000000e+00> : vector<16xf32>
    %reduce_sum3A_121 = vector.multi_reduction <add>, %slice3A_115, %reduce_sum3A_120 [0] : vector<256x16xf32> to vector<16xf32>
    %broadcast_in_dim3A_122 = vector.shape_cast %reduce_sum3A_121 : vector<16xf32> to vector<1x16xf32>
    %add3A_123 = arith.addf %add3A_114, %broadcast_in_dim3A_122 : vector<1x16xf32>
    %slice3A_124 = vector.extract_strided_slice %convert_element_type3A_60 {offsets = [1536, 0], sizes = [256, 16], strides = [1, 1]} : vector<2048x16xf32> to vector<256x16xf32>
    %dot_general3A_125 = arith.constant dense<0.000000e+00> : vector<256x16xf32>
    %dot_general3A_126 = tpu.matmul %convert_element_type3A_68, %slice3A_124, %dot_general3A_125 {dimension_numbers = #tpu.dot_dimension_numbers<[1], [0], [0], [1], [0, 0, 1, 1], [], []>, transpose_lhs_hint = false} : vector<256x256xf32>, vector<256x16xf32>, vector<256x16xf32> -> vector<256x16xf32>
    %add3A_127 = vector.broadcast %add3A_123 : vector<1x16xf32> to vector<256x16xf32>
    %add3A_128 = arith.addf %dot_general3A_126, %add3A_127 : vector<256x16xf32>
    %reduce_sum3A_129 = arith.constant dense<0.000000e+00> : vector<16xf32>
    %reduce_sum3A_130 = vector.multi_reduction <add>, %slice3A_124, %reduce_sum3A_129 [0] : vector<256x16xf32> to vector<16xf32>
    %broadcast_in_dim3A_131 = vector.shape_cast %reduce_sum3A_130 : vector<16xf32> to vector<1x16xf32>
    %add3A_132 = arith.addf %add3A_123, %broadcast_in_dim3A_131 : vector<1x16xf32>
    %slice3A_133 = vector.extract_strided_slice %convert_element_type3A_60 {offsets = [1792, 0], sizes = [256, 16], strides = [1, 1]} : vector<2048x16xf32> to vector<256x16xf32>
    %dot_general3A_134 = arith.constant dense<0.000000e+00> : vector<256x16xf32>
    %dot_general3A_135 = tpu.matmul %convert_element_type3A_68, %slice3A_133, %dot_general3A_134 {dimension_numbers = #tpu.dot_dimension_numbers<[1], [0], [0], [1], [0, 0, 1, 1], [], []>, transpose_lhs_hint = false} : vector<256x256xf32>, vector<256x16xf32>, vector<256x16xf32> -> vector<256x16xf32>
    %add3A_136 = vector.broadcast %add3A_132 : vector<1x16xf32> to vector<256x16xf32>
    %add3A_137 = arith.addf %dot_general3A_135, %add3A_136 : vector<256x16xf32>
    %reduce_sum3A_138 = arith.constant dense<0.000000e+00> : vector<16xf32>
    %reduce_sum3A_139 = vector.multi_reduction <add>, %slice3A_133, %reduce_sum3A_138 [0] : vector<256x16xf32> to vector<16xf32>
    %broadcast_in_dim3A_140 = vector.shape_cast %reduce_sum3A_139 : vector<16xf32> to vector<1x16xf32>
    %add3A_141 = arith.addf %add3A_132, %broadcast_in_dim3A_140 : vector<1x16xf32>
    %concatenate3A = tpu.concatenate %add3A_75, %add3A_83, %add3A_92, %add3A_101, %add3A_110, %add3A_119, %add3A_128, %add3A_137 in 0 : vector<256x16xf32>, vector<256x16xf32>, vector<256x16xf32>, vector<256x16xf32>, vector<256x16xf32>, vector<256x16xf32>, vector<256x16xf32>, vector<256x16xf32> -> vector<2048x16xf32>
    %broadcast_in_dim3A_142 = arith.constant 0.000000e+00 : f32
    %broadcast_in_dim3A_143 = vector.broadcast %broadcast_in_dim3A_142 : f32 to vector<1x16xf32>
    %slice3A_144 = vector.extract_strided_slice %convert_element_type3A_64 {offsets = [0, 0], sizes = [256, 16], strides = [1, 1]} : vector<2048x16xf32> to vector<256x16xf32>
    %dot_general3A_145 = arith.constant dense<0.000000e+00> : vector<256x16xf32>
    %dot_general3A_146 = tpu.matmul %convert_element_type3A_68, %slice3A_144, %dot_general3A_145 {dimension_numbers = #tpu.dot_dimension_numbers<[1], [0], [0], [1], [0, 0, 1, 1], [], []>, transpose_lhs_hint = false} : vector<256x256xf32>, vector<256x16xf32>, vector<256x16xf32> -> vector<256x16xf32>
    %add3A_147 = vector.broadcast %broadcast_in_dim3A_143 : vector<1x16xf32> to vector<256x16xf32>
    %add3A_148 = arith.addf %dot_general3A_146, %add3A_147 : vector<256x16xf32>
    %reduce_sum3A_149 = arith.constant dense<0.000000e+00> : vector<16xf32>
    %reduce_sum3A_150 = vector.multi_reduction <add>, %slice3A_144, %reduce_sum3A_149 [0] : vector<256x16xf32> to vector<16xf32>
    %broadcast_in_dim3A_151 = vector.shape_cast %reduce_sum3A_150 : vector<16xf32> to vector<1x16xf32>
    %add3A_152 = arith.addf %broadcast_in_dim3A_143, %broadcast_in_dim3A_151 : vector<1x16xf32>
    %slice3A_153 = vector.extract_strided_slice %convert_element_type3A_64 {offsets = [256, 0], sizes = [256, 16], strides = [1, 1]} : vector<2048x16xf32> to vector<256x16xf32>
    %dot_general3A_154 = arith.constant dense<0.000000e+00> : vector<256x16xf32>
    %dot_general3A_155 = tpu.matmul %convert_element_type3A_68, %slice3A_153, %dot_general3A_154 {dimension_numbers = #tpu.dot_dimension_numbers<[1], [0], [0], [1], [0, 0, 1, 1], [], []>, transpose_lhs_hint = false} : vector<256x256xf32>, vector<256x16xf32>, vector<256x16xf32> -> vector<256x16xf32>
    %add3A_156 = vector.broadcast %add3A_152 : vector<1x16xf32> to vector<256x16xf32>
    %add3A_157 = arith.addf %dot_general3A_155, %add3A_156 : vector<256x16xf32>
    %reduce_sum3A_158 = arith.constant dense<0.000000e+00> : vector<16xf32>
    %reduce_sum3A_159 = vector.multi_reduction <add>, %slice3A_153, %reduce_sum3A_158 [0] : vector<256x16xf32> to vector<16xf32>
    %broadcast_in_dim3A_160 = vector.shape_cast %reduce_sum3A_159 : vector<16xf32> to vector<1x16xf32>
    %add3A_161 = arith.addf %add3A_152, %broadcast_in_dim3A_160 : vector<1x16xf32>
    %slice3A_162 = vector.extract_strided_slice %convert_element_type3A_64 {offsets = [512, 0], sizes = [256, 16], strides = [1, 1]} : vector<2048x16xf32> to vector<256x16xf32>
    %dot_general3A_163 = arith.constant dense<0.000000e+00> : vector<256x16xf32>
    %dot_general3A_164 = tpu.matmul %convert_element_type3A_68, %slice3A_162, %dot_general3A_163 {dimension_numbers = #tpu.dot_dimension_numbers<[1], [0], [0], [1], [0, 0, 1, 1], [], []>, transpose_lhs_hint = false} : vector<256x256xf32>, vector<256x16xf32>, vector<256x16xf32> -> vector<256x16xf32>
    %add3A_165 = vector.broadcast %add3A_161 : vector<1x16xf32> to vector<256x16xf32>
    %add3A_166 = arith.addf %dot_general3A_164, %add3A_165 : vector<256x16xf32>
    %reduce_sum3A_167 = arith.constant dense<0.000000e+00> : vector<16xf32>
    %reduce_sum3A_168 = vector.multi_reduction <add>, %slice3A_162, %reduce_sum3A_167 [0] : vector<256x16xf32> to vector<16xf32>
    %broadcast_in_dim3A_169 = vector.shape_cast %reduce_sum3A_168 : vector<16xf32> to vector<1x16xf32>
    %add3A_170 = arith.addf %add3A_161, %broadcast_in_dim3A_169 : vector<1x16xf32>
    %slice3A_171 = vector.extract_strided_slice %convert_element_type3A_64 {offsets = [768, 0], sizes = [256, 16], strides = [1, 1]} : vector<2048x16xf32> to vector<256x16xf32>
    %dot_general3A_172 = arith.constant dense<0.000000e+00> : vector<256x16xf32>
    %dot_general3A_173 = tpu.matmul %convert_element_type3A_68, %slice3A_171, %dot_general3A_172 {dimension_numbers = #tpu.dot_dimension_numbers<[1], [0], [0], [1], [0, 0, 1, 1], [], []>, transpose_lhs_hint = false} : vector<256x256xf32>, vector<256x16xf32>, vector<256x16xf32> -> vector<256x16xf32>
    %add3A_174 = vector.broadcast %add3A_170 : vector<1x16xf32> to vector<256x16xf32>
    %add3A_175 = arith.addf %dot_general3A_173, %add3A_174 : vector<256x16xf32>
    %reduce_sum3A_176 = arith.constant dense<0.000000e+00> : vector<16xf32>
    %reduce_sum3A_177 = vector.multi_reduction <add>, %slice3A_171, %reduce_sum3A_176 [0] : vector<256x16xf32> to vector<16xf32>
    %broadcast_in_dim3A_178 = vector.shape_cast %reduce_sum3A_177 : vector<16xf32> to vector<1x16xf32>
    %add3A_179 = arith.addf %add3A_170, %broadcast_in_dim3A_178 : vector<1x16xf32>
    %slice3A_180 = vector.extract_strided_slice %convert_element_type3A_64 {offsets = [1024, 0], sizes = [256, 16], strides = [1, 1]} : vector<2048x16xf32> to vector<256x16xf32>
    %dot_general3A_181 = arith.constant dense<0.000000e+00> : vector<256x16xf32>
    %dot_general3A_182 = tpu.matmul %convert_element_type3A_68, %slice3A_180, %dot_general3A_181 {dimension_numbers = #tpu.dot_dimension_numbers<[1], [0], [0], [1], [0, 0, 1, 1], [], []>, transpose_lhs_hint = false} : vector<256x256xf32>, vector<256x16xf32>, vector<256x16xf32> -> vector<256x16xf32>
    %add3A_183 = vector.broadcast %add3A_179 : vector<1x16xf32> to vector<256x16xf32>
    %add3A_184 = arith.addf %dot_general3A_182, %add3A_183 : vector<256x16xf32>
    %reduce_sum3A_185 = arith.constant dense<0.000000e+00> : vector<16xf32>
    %reduce_sum3A_186 = vector.multi_reduction <add>, %slice3A_180, %reduce_sum3A_185 [0] : vector<256x16xf32> to vector<16xf32>
    %broadcast_in_dim3A_187 = vector.shape_cast %reduce_sum3A_186 : vector<16xf32> to vector<1x16xf32>
    %add3A_188 = arith.addf %add3A_179, %broadcast_in_dim3A_187 : vector<1x16xf32>
    %slice3A_189 = vector.extract_strided_slice %convert_element_type3A_64 {offsets = [1280, 0], sizes = [256, 16], strides = [1, 1]} : vector<2048x16xf32> to vector<256x16xf32>
    %dot_general3A_190 = arith.constant dense<0.000000e+00> : vector<256x16xf32>
    %dot_general3A_191 = tpu.matmul %convert_element_type3A_68, %slice3A_189, %dot_general3A_190 {dimension_numbers = #tpu.dot_dimension_numbers<[1], [0], [0], [1], [0, 0, 1, 1], [], []>, transpose_lhs_hint = false} : vector<256x256xf32>, vector<256x16xf32>, vector<256x16xf32> -> vector<256x16xf32>
    %add3A_192 = vector.broadcast %add3A_188 : vector<1x16xf32> to vector<256x16xf32>
    %add3A_193 = arith.addf %dot_general3A_191, %add3A_192 : vector<256x16xf32>
    %reduce_sum3A_194 = arith.constant dense<0.000000e+00> : vector<16xf32>
    %reduce_sum3A_195 = vector.multi_reduction <add>, %slice3A_189, %reduce_sum3A_194 [0] : vector<256x16xf32> to vector<16xf32>
    %broadcast_in_dim3A_196 = vector.shape_cast %reduce_sum3A_195 : vector<16xf32> to vector<1x16xf32>
    %add3A_197 = arith.addf %add3A_188, %broadcast_in_dim3A_196 : vector<1x16xf32>
    %slice3A_198 = vector.extract_strided_slice %convert_element_type3A_64 {offsets = [1536, 0], sizes = [256, 16], strides = [1, 1]} : vector<2048x16xf32> to vector<256x16xf32>
    %dot_general3A_199 = arith.constant dense<0.000000e+00> : vector<256x16xf32>
    %dot_general3A_200 = tpu.matmul %convert_element_type3A_68, %slice3A_198, %dot_general3A_199 {dimension_numbers = #tpu.dot_dimension_numbers<[1], [0], [0], [1], [0, 0, 1, 1], [], []>, transpose_lhs_hint = false} : vector<256x256xf32>, vector<256x16xf32>, vector<256x16xf32> -> vector<256x16xf32>
    %add3A_201 = vector.broadcast %add3A_197 : vector<1x16xf32> to vector<256x16xf32>
    %add3A_202 = arith.addf %dot_general3A_200, %add3A_201 : vector<256x16xf32>
    %reduce_sum3A_203 = arith.constant dense<0.000000e+00> : vector<16xf32>
    %reduce_sum3A_204 = vector.multi_reduction <add>, %slice3A_198, %reduce_sum3A_203 [0] : vector<256x16xf32> to vector<16xf32>
    %broadcast_in_dim3A_205 = vector.shape_cast %reduce_sum3A_204 : vector<16xf32> to vector<1x16xf32>
    %add3A_206 = arith.addf %add3A_197, %broadcast_in_dim3A_205 : vector<1x16xf32>
    %slice3A_207 = vector.extract_strided_slice %convert_element_type3A_64 {offsets = [1792, 0], sizes = [256, 16], strides = [1, 1]} : vector<2048x16xf32> to vector<256x16xf32>
    %dot_general3A_208 = arith.constant dense<0.000000e+00> : vector<256x16xf32>
    %dot_general3A_209 = tpu.matmul %convert_element_type3A_68, %slice3A_207, %dot_general3A_208 {dimension_numbers = #tpu.dot_dimension_numbers<[1], [0], [0], [1], [0, 0, 1, 1], [], []>, transpose_lhs_hint = false} : vector<256x256xf32>, vector<256x16xf32>, vector<256x16xf32> -> vector<256x16xf32>
    %add3A_210 = vector.broadcast %add3A_206 : vector<1x16xf32> to vector<256x16xf32>
    %add3A_211 = arith.addf %dot_general3A_209, %add3A_210 : vector<256x16xf32>
    %reduce_sum3A_212 = arith.constant dense<0.000000e+00> : vector<16xf32>
    %reduce_sum3A_213 = vector.multi_reduction <add>, %slice3A_207, %reduce_sum3A_212 [0] : vector<256x16xf32> to vector<16xf32>
    %broadcast_in_dim3A_214 = vector.shape_cast %reduce_sum3A_213 : vector<16xf32> to vector<1x16xf32>
    %add3A_215 = arith.addf %add3A_206, %broadcast_in_dim3A_214 : vector<1x16xf32>
    %concatenate3A_216 = tpu.concatenate %add3A_148, %add3A_157, %add3A_166, %add3A_175, %add3A_184, %add3A_193, %add3A_202, %add3A_211 in 0 : vector<256x16xf32>, vector<256x16xf32>, vector<256x16xf32>, vector<256x16xf32>, vector<256x16xf32>, vector<256x16xf32>, vector<256x16xf32>, vector<256x16xf32> -> vector<2048x16xf32>
    %add3A_217 = arith.addf %add3A_141, %add3A_215 : vector<1x16xf32>
    %add3A_218 = arith.constant 5.110000e+02 : f32
    %add3A_219 = vector.broadcast %add3A_218 : f32 to vector<1x16xf32>
    %add3A_220 = arith.addf %add3A_217, %add3A_219 : vector<1x16xf32>
    %div3A_221 = arith.constant 5.120000e+02 : f32
    %div3A_222 = vector.broadcast %div3A_221 : f32 to vector<1x16xf32>
    %div3A_223 = arith.divf %add3A_220, %div3A_222 : vector<1x16xf32>
    %floor3A = math.floor %div3A_223 : vector<1x16xf32>
    %iota3A_224 = tpu.iota {dimensions = array<i32: 0>} : vector<16x16xi32>
    %iota3A_225 = tpu.iota {dimensions = array<i32: 1>} : vector<16x16xi32>
    %lt3A = arith.cmpi slt, %iota3A_224, %iota3A_225 : vector<16x16xi32>
    %convert_element_type3A_226 = arith.extui %lt3A : vector<16x16xi1> to vector<16x16xi32>
    %convert_element_type3A_227 = arith.sitofp %convert_element_type3A_226 : vector<16x16xi32> to vector<16x16xf32>
    %dot_general3A_228 = arith.constant dense<0.000000e+00> : vector<1x16xf32>
    %dot_general3A_229 = tpu.matmul %floor3A, %convert_element_type3A_227, %dot_general3A_228 {dimension_numbers = #tpu.dot_dimension_numbers<[1], [0], [0], [1], [0, 0, 1, 1], [], []>, transpose_lhs_hint = false} : vector<1x16xf32>, vector<16x16xf32>, vector<1x16xf32> -> vector<1x16xf32>
    %reduce_sum3A_230 = vector.shape_cast %floor3A : vector<1x16xf32> to vector<1x1x16xf32>
    %reduce_sum3A_231 = arith.constant dense<0.000000e+00> : vector<1xf32>
    %reduce_sum3A_232 = vector.multi_reduction <add>, %reduce_sum3A_230, %reduce_sum3A_231 [1, 2] : vector<1x1x16xf32> to vector<1xf32>
    %reduce_sum3A_233 = vector.shape_cast %reduce_sum3A_232 : vector<1xf32> to vector<1x1x1xf32>
    %reduce_sum3A_234 = vector.extract %reduce_sum3A_233[0, 0, 0] : f32 from vector<1x1x1xf32>
    %mul3A = arith.mulf %convert_element_type3A_60, %concatenate3A : vector<2048x16xf32>
    %reduce_sum3A_235 = arith.constant dense<0.000000e+00> : vector<2048xf32>
    %reduce_sum3A_236 = vector.multi_reduction <add>, %mul3A, %reduce_sum3A_235 [1] : vector<2048x16xf32> to vector<2048xf32>
    %add3A_237 = vector.broadcast %add3A_141 : vector<1x16xf32> to vector<2048x16xf32>
    %add3A_238 = arith.addf %add3A_237, %concatenate3A_216 : vector<2048x16xf32>
    %mul3A_239 = arith.mulf %convert_element_type3A_64, %add3A_238 : vector<2048x16xf32>
    %reduce_sum3A_240 = arith.constant dense<0.000000e+00> : vector<2048xf32>
    %reduce_sum3A_241 = vector.multi_reduction <add>, %mul3A_239, %reduce_sum3A_240 [1] : vector<2048x16xf32> to vector<2048xf32>
    %mul3A_242 = vector.broadcast %dot_general3A_229 : vector<1x16xf32> to vector<2048x16xf32>
    %mul3A_243 = arith.mulf %convert_element_type3A_60, %mul3A_242 : vector<2048x16xf32>
    %reduce_sum3A_244 = arith.constant dense<0.000000e+00> : vector<2048xf32>
    %reduce_sum3A_245 = vector.multi_reduction <add>, %mul3A_243, %reduce_sum3A_244 [1] : vector<2048x16xf32> to vector<2048xf32>
    %mul3A_246 = arith.constant 5.120000e+02 : f32
    %mul3A_247 = vector.broadcast %mul3A_246 : f32 to vector<2048xf32>
    %mul3A_248 = arith.mulf %reduce_sum3A_245, %mul3A_247 : vector<2048xf32>
    %mul3A_249 = vector.broadcast %dot_general3A_229 : vector<1x16xf32> to vector<2048x16xf32>
    %mul3A_250 = arith.mulf %convert_element_type3A_64, %mul3A_249 : vector<2048x16xf32>
    %reduce_sum3A_251 = arith.constant dense<0.000000e+00> : vector<2048xf32>
    %reduce_sum3A_252 = vector.multi_reduction <add>, %mul3A_250, %reduce_sum3A_251 [1] : vector<2048x16xf32> to vector<2048xf32>
    %mul3A_253 = arith.constant 5.120000e+02 : f32
    %mul3A_254 = vector.broadcast %mul3A_253 : f32 to vector<2048xf32>
    %mul3A_255 = arith.mulf %reduce_sum3A_252, %mul3A_254 : vector<2048xf32>
    %add3A_256 = arith.addf %mul3A_248, %reduce_sum3A_236 : vector<2048xf32>
    %convert_element_type3A_257 = arith.fptosi %add3A_256 : vector<2048xf32> to vector<2048xi32>
    %swap3A_258 = arith.constant 0 : index
    %swap3A_259 = arith.constant 0 : index
    %swap3A_260 = vector.load %arg2[%swap3A_258, %swap3A_259] : memref<2x2048xi32, #tpu.memory_space<vmem>>, vector<1x2048xi32>
    %swap3A_261 = vector.shape_cast %swap3A_260 : vector<1x2048xi32> to vector<2048xi32>
    %swap3A_262 = vector.shape_cast %convert_element_type3A_257 : vector<2048xi32> to vector<1x2048xi32>
    tpu.vector_store %arg2[%swap3A_258, %swap3A_259], %swap3A_262 {strides = array<i32>} : memref<2x2048xi32, #tpu.memory_space<vmem>>, vector<1x2048xi32>,
    %add3A_263 = arith.addf %mul3A_255, %reduce_sum3A_241 : vector<2048xf32>
    %convert_element_type3A_264 = arith.fptosi %add3A_263 : vector<2048xf32> to vector<2048xi32>
    %swap3A_265 = arith.constant 1 : index
    %swap3A_266 = arith.constant 0 : index
    %swap3A_267 = vector.load %arg2[%swap3A_265, %swap3A_266] : memref<2x2048xi32, #tpu.memory_space<vmem>>, vector<1x2048xi32>
    %swap3A_268 = vector.shape_cast %swap3A_267 : vector<1x2048xi32> to vector<2048xi32>
    %swap3A_269 = vector.shape_cast %convert_element_type3A_264 : vector<2048xi32> to vector<1x2048xi32>
    tpu.vector_store %arg2[%swap3A_265, %swap3A_266], %swap3A_269 {strides = array<i32>} : memref<2x2048xi32, #tpu.memory_space<vmem>>, vector<1x2048xi32>,
    %iota3A_270 = tpu.iota {dimensions = array<i32: 0>} : vector<64x16xi32>
    %convert_element_type3A_271 = arith.sitofp %iota3A_270 : vector<64x16xi32> to vector<64x16xf32>
    %le3A = vector.broadcast %dot_general3A_229 : vector<1x16xf32> to vector<64x16xf32>
    %le3A_272 = arith.cmpf ole, %le3A, %convert_element_type3A_271 : vector<64x16xf32>
    %convert_element_type3A_273 = arith.extui %le3A_272 : vector<64x16xi1> to vector<64x16xi32>
    %reduce_sum3A_274 = arith.constant dense<0> : vector<64xi32>
    %reduce_sum3A_275 = vector.multi_reduction <add>, %convert_element_type3A_273, %reduce_sum3A_274 [1] : vector<64x16xi32> to vector<64xi32>
    %sub3A_276 = arith.constant 1 : i32
    %sub3A_277 = vector.broadcast %sub3A_276 : i32 to vector<64xi32>
    %sub3A_278 = arith.subi %reduce_sum3A_275, %sub3A_277 : vector<64xi32>
    %iota3A_279 = tpu.iota {dimensions = array<i32: 0>} : vector<64x1xi32>
    %convert_element_type3A_280 = arith.sitofp %iota3A_279 : vector<64x1xi32> to vector<64x1xf32>
    %squeeze3A = vector.shape_cast %convert_element_type3A_280 : vector<64x1xf32> to vector<64xf32>
    %lt3A_281 = vector.broadcast %reduce_sum3A_234 : f32 to vector<64xf32>
    %lt3A_282 = arith.cmpf olt, %squeeze3A, %lt3A_281 : vector<64xf32>
    %convert_element_type3A_283 = arith.extui %lt3A_282 : vector<64xi1> to vector<64xi32>
    %jit3A_284 = arith.constant 0 : i32
    %jit3A_285 = arith.constant 15 : i32
    %max3A = vector.broadcast %jit3A_284 : i32 to vector<64xi32>
    %max3A_286 = arith.maxsi %max3A, %sub3A_278 : vector<64xi32>
    %min3A = vector.broadcast %jit3A_285 : i32 to vector<64xi32>
    %min3A_287 = arith.minsi %min3A, %max3A_286 : vector<64xi32>
    %swap3A_288 = arith.constant 0 : index
    %swap3A_289 = arith.constant 0 : index
    %swap3A_290 = vector.load %arg3[%swap3A_288, %swap3A_289] : memref<3x64xi32, #tpu.memory_space<vmem>>, vector<1x64xi32>
    %swap3A_291 = vector.shape_cast %swap3A_290 : vector<1x64xi32> to vector<64xi32>
    %swap3A_292 = vector.shape_cast %min3A_287 : vector<64xi32> to vector<1x64xi32>
    tpu.vector_store %arg3[%swap3A_288, %swap3A_289], %swap3A_292 {strides = array<i32>} : memref<3x64xi32, #tpu.memory_space<vmem>>, vector<1x64xi32>,
    %swap3A_293 = arith.constant 1 : index
    %swap3A_294 = arith.constant 0 : index
    %swap3A_295 = vector.load %arg3[%swap3A_293, %swap3A_294] : memref<3x64xi32, #tpu.memory_space<vmem>>, vector<1x64xi32>
    %swap3A_296 = vector.shape_cast %swap3A_295 : vector<1x64xi32> to vector<64xi32>
    %swap3A_297 = vector.shape_cast %convert_element_type3A_283 : vector<64xi32> to vector<1x64xi32>
    tpu.vector_store %arg3[%swap3A_293, %swap3A_294], %swap3A_297 {strides = array<i32>} : memref<3x64xi32, #tpu.memory_space<vmem>>, vector<1x64xi32>,
    %sub3A_298 = arith.constant 1.000000e+00 : f32
    %sub3A_299 = arith.subf %reduce_sum3A_234, %sub3A_298 : f32
    %min3A_300 = vector.broadcast %sub3A_299 : f32 to vector<64xf32>
    %min3A_301 = arith.minimumf %squeeze3A, %min3A_300 : vector<64xf32>
    %convert_element_type3A_302 = arith.fptosi %min3A_301 : vector<64xf32> to vector<64xi32>
    %swap3A_303 = arith.constant 2 : index
    %swap3A_304 = arith.constant 0 : index
    %swap3A_305 = vector.load %arg3[%swap3A_303, %swap3A_304] : memref<3x64xi32, #tpu.memory_space<vmem>>, vector<1x64xi32>
    %swap3A_306 = vector.shape_cast %swap3A_305 : vector<1x64xi32> to vector<64xi32>
    %swap3A_307 = vector.shape_cast %convert_element_type3A_302 : vector<64xi32> to vector<1x64xi32>
    tpu.vector_store %arg3[%swap3A_303, %swap3A_304], %swap3A_307 {strides = array<i32>} : memref<3x64xi32, #tpu.memory_space<vmem>>, vector<1x64xi32>,
    return
  }
}

</mosaic_0001>

<sc_bundles>
// kernel: kernel.10.cloned.1.call-start
scs
__scs_entry_jumppad:
0x0: {  	(pc) =	sbr.rel $0x88, $3  }
0x1: {  	(tag) =	ssettag $0x0;
	lr =	simm.s32 $0x1  }
0x2: {  	[smem:$0x3F9C] =	sst lr;
	_ =	strace $0xD0000000  }
0x3: {  	_ = 	snop  }
0x4: {  	_ = 	snop  }
0x5: {  	_ = 	snop  }
0x6: {  	_ = 	snop  }
0x7: {  	_ = 	snop  }
__scs_overlays_trampoline_lowered:
0x8: {  	[smem:$0x3FAB] =	sst s0  }
0x9: {  	[smem:$0x3FAC] =	sst s1  }
0xa: {  	[smem:$0x3FAD] =	sst s2  }
0xb: {  	[smem:$0x3FAE] =	sst s3  }
0xc: {  	[smem:$0x3FAF] =	sst s4  }
0xd: {  	[smem:$0x3FB0] =	sst s5  }
0xe: {  	[smem:$0x3FB1] =	sst s6  }
0xf: {  	[smem:$0x3FB2] =	sst s7  }
0x10: {  	[smem:$0x3FB3] =	sst s8  }
0x11: {  	[smem:$0x3FB4] =	sst s9;
	s0 =	simm.s32 @!p0 $0x0  }
0x12: {  	s1 =	sld [smem:$0x3F9A];
	s0 =	simm.s32 @p0 $0x1  }
0x13: {  	[smem:$0x3FB5] =	sst s0;
	s0 =	simm.s32 @!p1 $0x0  }
0x14: {  	s2 =	sld [smem:$0x3F99];
	s0 =	simm.s32 @p1 $0x1  }
0x15: {  	[smem:$0x3FB6] =	sst s0;
	s0 =	simm.s32 @!p2 $0x0  }
0x16: {  	s3 =	sld [smem:$0x3FDB];
	s0 =	simm.s32 @p2 $0x1  }
0x17: {  	s4 =	simm.s32 $0x1BF5;
	[smem:$0x3FB8] =	sst s0  }
0x18: {  	s0 =	sld [smem:$0x3F9B];
	_ =	swait.ge [sflag:s4], $0x0  }
0x19: {  	s7 =	sld [smem:$0x3F9C]  }
0x1a: {  	s8 =	sadd.s32 $0xFFFFE003, lr  }
0x1b: {  	s9 =	sadd.s32 $0xFFFFFEF7, lr;
	s5 =	simm.s32 $0xFFFFFFFF;
	p2 =	slt.u32 s8, $0xFFFFF086  }
0x1c: {  	p1 =	slt.u32 s9, $0xF7A;
	s5 =	simm.s32 @!p2 $0x0  }
0x1d: {  	s5 =	simm.s32 @p1 $0x1;
	p0 =	seq.s32 s7, s2  }
0x1e: {  	s7 =	smul.u32 @!p0 $0xF7A, s2;
	p2 =	seq.s32 @!p0 s5, $0x0  }
0x1f: {  	s9 =	smul.u32 $0xF7A, s1;
	s8 =	simm.s32 @!p0 $0x1BF5;
	p2 =	por !p2, p0  }
0x20: {  	[sflag:s8] =	ssyncset.s32 @!p0 $0xFFFFF086;
	s6 =	sadd.s32 @!p0 s3, s7;
	s7 =	simm.s32 @!p0 $0x108  }
0x21: {  	s3 =	sadd.s32 s3, s9;
	s6 =	sadd.s32 @!p0 $0x88, s6;
	s7 =	simm.s32 @p2 $0x1082  }
0x22: {  	[simem:s7], [sflag:s8] =	dma.local @!p0 [hbm:s6], $0xF7A  }
0x23: {  	s9 =	sor.u32 $0xD0000000, s2;
	s6 =	simm.s32 $0x108;
	_ =	swait.ge @!p0 [sflag:s8], $0x0  }
0x24: {  	s3 =	sadd.s32 $0x88, s3;
	s6 =	simm.s32 @!p1 $0x1082;
	[sflag:s4] =	ssyncset.s32 $0xFFFFF086  }
0x25: {  	[simem:s6], [sflag:s4] =	dma.local [hbm:s3], $0xF7A  }
0x26: {  	[smem:$0x3F9C] =	sst s1;
	(tag) =	ssettag s2;
	_ =	strace s9  }
0x27: {  	s1 =	sld [smem:$0x3FAC]  }
0x28: {  	s2 =	sld [smem:$0x3FAD]  }
0x29: {  	s4 =	sld [smem:$0x3FAF]  }
0x2a: {  	p0 =	seq.s32 s5, $0x0;
	s5 =	sld [smem:$0x3FB0]  }
0x2b: {  	s6 =	sld [smem:$0x3FB1]  }
0x2c: {  	s7 =	sld [smem:$0x3FB2]  }
0x2d: {  	s3 =	simm.s32 $0x108;
	s8 =	sld [smem:$0x3FB3]  }
0x2e: {  	s3 =	simm.s32 @!p0 $0x1082;
	s9 =	sld [smem:$0x3FB4]  }
0x2f: {  	lr =	sadd.s32 s0, s3;
	s0 =	sld [smem:$0x3FAB]  }
0x30: {  	s3 =	sld [smem:$0x3FAE]  }
0x31: {  	[smem:$0x3FB7] =	sst s10  }
0x32: {  	s10 =	sld [smem:$0x3FB5];
	_ =	sdelay $0x3  }
0x33: {  	p0 =	seq.s32 s10, $0x1;
	s10 =	sld [smem:$0x3FB7];
	_ =	sdelay $0x3  }
0x34: {  	[smem:$0x3FB7] =	sst s10  }
0x35: {  	s10 =	sld [smem:$0x3FB6];
	_ =	sdelay $0x3  }
0x36: {  	p1 =	seq.s32 s10, $0x1;
	s10 =	sld [smem:$0x3FB7];
	_ =	sdelay $0x3  }
0x37: {  	[smem:$0x3FB7] =	sst s10  }
0x38: {  	s10 =	sld [smem:$0x3FB8]  }
0x39: {  	_ = 	snop;
	(pc) =	sbr.ind lr, $3  }
0x3a: {  	_ = 	snop  }
0x3b: {  	_ = 	snop  }
0x3c: {  	p2 =	seq.s32 s10, $0x1;
	s10 =	sld [smem:$0x3FB7]  }
0x3d: {  	_ =	shalt  }
0x3e: {  	_ =	shalt  }
0x3f: {  	_ =	shalt  }
0x40: {  	_ =	shalt  }
0x41: {  	_ =	shalt  }
0x42: {  	_ =	shalt  }
0x43: {  	_ =	shalt  }
0x44: {  	_ =	shalt  }
0x45: {  	_ =	shalt  }
0x46: {  	_ =	shalt  }
0x47: {  	_ =	shalt  }
0x48: {  	_ =	shalt  }
0x49: {  	_ =	shalt  }
0x4a: {  	_ =	shalt  }
0x4b: {  	_ =	shalt  }
0x4c: {  	_ =	shalt  }
0x4d: {  	_ =	shalt  }
0x4e: {  	_ =	shalt  }
0x4f: {  	_ =	shalt  }
0x50: {  	_ =	shalt  }
0x51: {  	_ =	shalt  }
0x52: {  	_ =	shalt  }
0x53: {  	_ =	shalt  }
0x54: {  	_ =	shalt  }
0x55: {  	_ =	shalt  }
0x56: {  	_ =	shalt  }
0x57: {  	_ =	shalt  }
0x58: {  	_ =	shalt  }
0x59: {  	_ =	shalt  }
0x5a: {  	_ =	shalt  }
0x5b: {  	_ =	shalt  }
0x5c: {  	_ =	shalt  }
0x5d: {  	_ =	shalt  }
0x5e: {  	_ =	shalt  }
0x5f: {  	_ =	shalt  }
0x60: {  	_ =	shalt  }
0x61: {  	_ =	shalt  }
0x62: {  	_ =	shalt  }
0x63: {  	_ =	shalt  }
0x64: {  	_ =	shalt  }
0x65: {  	_ =	shalt  }
0x66: {  	_ =	shalt  }
0x67: {  	_ =	shalt  }
0x68: {  	_ =	shalt  }
0x69: {  	_ =	shalt  }
0x6a: {  	_ =	shalt  }
0x6b: {  	_ =	shalt  }
0x6c: {  	_ =	shalt  }
0x6d: {  	_ =	shalt  }
0x6e: {  	_ =	shalt  }
0x6f: {  	_ =	shalt  }
0x70: {  	_ =	shalt  }
0x71: {  	_ =	shalt  }
0x72: {  	_ =	shalt  }
0x73: {  	_ =	shalt  }
0x74: {  	_ =	shalt  }
0x75: {  	_ =	shalt  }
0x76: {  	_ =	shalt  }
0x77: {  	_ =	shalt  }
0x78: {  	_ =	shalt  }
0x79: {  	_ =	shalt  }
0x7a: {  	_ =	shalt  }
0x7b: {  	_ =	shalt  }
0x7c: {  	_ =	shalt  }
0x7d: {  	_ =	shalt  }
0x7e: {  	_ =	shalt  }
0x7f: {  	_ =	shalt  }
0x80: {  	_ =	shalt  }
0x81: {  	_ =	shalt  }
0x82: {  	_ =	shalt  }
0x83: {  	_ =	shalt  }
0x84: {  	_ =	shalt  }
0x85: {  	_ =	shalt  }
0x86: {  	_ =	shalt  }
0x87: {  	_ =	shalt  }
.Lfunc_end0:
.L_simem_size_0:
called_computation.1_lowered:
.L_overlay_start_0:
0x88: {  	s2 =	sld [smem:$0x3FD9]  }
0x89: {  	s3 =	sld [smem:$0x3FFE];
	_ =	sdelay $0x1  }
0x8a: {  	s1 =	srdreg.scid  }
0x8b: {  	s0 =	sand.u32 $0x1, s1  }
0x8c: {  	s17 =	sshll.u32 s0, $0xA;
	s2 =	sadd.s32 s3, s2  }
0x8d: {  	s2 =	sadd.s32 s2, s17  }
0x8e: {  	[smem:$0x3FC3] =	sst s2  }
0x8f: {  	_ = 	snop  }
0x90: {  	s2 =	sld [smem:$0x3FD0];
	(tm) =	ssettm $0x1  }
0x91: {  	s18 =	sld [smem:$0x3FFB];
	_ =	sdelay $0x3  }
0x92: {  	_ =	strace s18  }
0x93: {  	s3 =	sld [smem:$0x3FFC];
	_ =	sdelay $0x3  }
0x94: {  	_ =	strace s3  }
0x95: {  	s3 =	sld [smem:$0x3FFD];
	_ =	sdelay $0x3  }
0x96: {  	_ =	strace s3  }
0x97: {  	_ =	strace $0x8FFFFFFF  }
0x98: {  	s19 =	sld [smem:$0x3FDB];
	_ =	sdelay $0x1  }
0x99: {  	s4 =	simm.s32 $_scs_section_size  }
0x9a: {  	s5 =	simm.s32 $_size__tile_overlayer_lowered;
	s6 =	simm.s32 $_tile_overlayer_lowered  }
0x9b: {  	s22 =	simm.s32 $0x1BFF;
	s21 =	sshll.u32 s6, $0x1;
	s3 =	sadd.s32 s4, s19  }
0x9c: {  	s7 =	simm.s32 $0x0;
	s20 =	sshll.u32 s5, $0x1;
	s5 =	sadd.s32 s21, s3  }
0x9d: {  	[timem:s7], [sflag:s22] =	dma.local [hbm:s5], s20  }
0x9e: {  	_ =	swait.ge [sflag:s22], s20  }
0x9f: {  	s4 =	ssub.s32 $0x0, s20;
	[sflag:s22] =	ssyncset.done $0x0  }
0xa0: {  	[sflag:s22] =	ssyncadd.s32 s4;
	_ =	sdelay $0x1  }
0xa1: {  	s23 =	simm.s32 $0x1B8B  }
0xa2: {  	_ =	swait.ge [sflag:s23], $0x1  }
0xa3: {  	[sflag:s23] =	ssyncset.done $0x0  }
0xa4: {  	s25 =	simm.s32 $0x1B8E;
	s24 =	sld [smem:$0x3FFE];
	[sflag:s23] =	ssyncadd.s32 $0xFFFFFFFF  }
0xa5: {  	s26 =	simm.s32 $execute0_lowered;
	[smem:$0x3FD2] =	sst s25  }
0xa6: {  	s5 =	sshll.u32 s26, $0x1;
	_ =	strace $0x80000049;
	[dreg:$0x1] =	wrdreg $0xFFFFFFFF  }
0xa7: {  	s28 =	simm.s32 $_size_execute0_lowered;
	s3 =	sadd.s32 s3, s5;
	[dreg:$0x0] =	wrdreg $0x0  }
0xa8: {  	s5 =	sshll.u32 s28, $0x1;
	[dreg:$0x2] =	wrdreg s3  }
0xa9: {  	[dreg:$0x3] =	wrdreg s5  }
0xaa: {  	[dreg:$0x4] =	wrdreg $0xC0  }
0xab: {  	_ =	task [dreg:s7], $0x5FFFF  }
0xac: {  	[dreg:$0x1] =	wrdreg $0xFFFFFFFF  }
0xad: {  	[dreg:$0x0] =	wrdreg $0x60  }
0xae: {  	[dreg:$0x2] =	wrdreg s24  }
0xaf: {  	[dreg:$0x3] =	wrdreg s2  }
0xb0: {  	[dreg:$0x4] =	wrdreg $0x9  }
0xb1: {  	_ =	task.clear_ibuf [dreg:s7], $0x5FFFF;
	_ =	strace $0x90000049  }
0xb2: {  	s29 =	simm.s32 $0x9;
	_ =	strace $0x8000004B  }
0xb3: {  	_ =	swait.ge [sflag:s29], $0x1  }
0xb4: {  	[sflag:s29] =	ssyncadd.s32 $0xFFFFFFFF  }
0xb5: {  	_ =	strace $0x9000004B  }
0xb6: {  	_ =	sfence  }
0xb7: {  	s30 =	sld [smem:$0x0];
	_ =	sdelay $0x2  }
0xb8: {  	s31 =	sshll.u32 s1, $0xD;
	s1 =	sshrl.u32 s1, $0x2  }
0xb9: {  	s3 =	sand.u32 $0x4000, s31;
	s1 =	sadd.s32 s1, s30  }
0xba: {  	s0 =	sor.u32 s3, s0;
	s1 =	sshll.u32 s1, $0x11  }
0xbb: {  	s0 =	sor.u32 s1, s0  }
0xbc: {  	s0 =	sadd.s32 $0x8F2B, s0  }
0xbd: {  	[sflag:s0] =	ssyncadd.remote.s32 $0x1  }
0xbe: {  	_ =	sfence.sel $0xFFFF  }
0xbf: {  	[dreg:$0x0] =	wrdreg $0xFFFFFFFF;
	(pc) =	sbr.abs _section_cstart, $3  }
0xc0: {  	[dreg:$0x1] =	wrdreg $0xFFFFFFFF  }
0xc1: {  	_ =	task.clear_ibuf [dreg:s7], $0x2FFFF;
	_ =	strace $0x9FFFFFFF  }
0xc2: {  	(tm) =	ssettm $0x7FFFFFFF  }
0xc3: {  	_ =	shalt  }
tec
execute0_lowered:
.L_overlay_start_1:
0x0: {  	(tag) =	ssettag $0x1  }
0x1: {  	s1 =	srdreg.scid;
	s4 =	rddreg [dreg:$0x0]  }
0x2: {  	s0 =	stileid.u32;
	s6 =	rddreg [dreg:$0x1];
	s14 =	simm.s32 $0x10000  }
0x3: {  	s15 =	simm.s32 $0x10080;
	s16 =	simm.s32 $0x800;
	s1 =	sand.u32 $0x1, s1  }
0x4: {  	s17 =	simm.s32 $0x1000;
	s2 =	sshll.u32 s0, $0x7;
	s3 =	sshll.u32 s1, $0x6  }
0x5: {  	s18 =	simm.s32 $0x1800;
	s5 =	sor.u32 s3, s2;
	s2 =	simm.s32 $0x0  }
0x6: {  	s19 =	simm.s32 $0x2000;
	s20 =	simm.s32 $0x2800;
	[smem:$0x7FF] =	sst s2  }
0x7: {  	s21 =	simm.s32 $0x3000;
	_ =	strace $0x8000004A;
	[dreg:$0x9] =	wrdreg s14  }
0x8: {  	s23 =	simm.s32 $0x3800;
	s24 =	simm.s32 $0x4800;
	[dreg:$0xa] =	wrdreg s15  }
0x9: {  	s25 =	simm.s32 $0x5000;
	s26 =	simm.s32 $0x5800;
	[dreg:$0xb] =	wrdreg s16  }
0xa: {  	s28 =	simm.s32 $0xF000;
	s29 =	simm.s32 $0xF800;
	[dreg:$0xc] =	wrdreg s17  }
0xb: {  	s30 =	simm.s32 $0x2;
	s31 =	simm.s32 $0x3;
	[dreg:$0xd] =	wrdreg s18  }
0xc: {  	s0 =	sadd.s32 $0x1A00, s4;
	s1 =	ssub.s32 $0x2, s1;
	[dreg:$0xe] =	wrdreg s19  }
0xd: {  	s9 =	sadd.s32 $0x1C00, s4;
	s22 =	sshrl.u32 s1, $0x1;
	[dreg:$0xf] =	wrdreg s20  }
0xe: {  	s7 =	sshll.u32 s5, $0x1;
	s5 =	sshll.u32 s5, $0x6;
	[dreg:$0x10] =	wrdreg s21  }
0xf: {  	s1 =	ssub.s32 s1, s22;
	s22 =	simm.s32 $0xC800;
	[dreg:$0x11] =	wrdreg s23  }
0x10: {  	s8 =	sand.u32 $0xF00, s7;
	s10 =	sadd.s32 s6, s5;
	[dreg:$0x12] =	wrdreg s24  }
0x11: {  	s11 =	sadd.s32 s9, s5;
	s5 =	sor.u32 $0x800, s5;
	[dreg:$0x13] =	wrdreg s25  }
0x12: {  	[dreg:$0x14] =	wrdreg s26;
	s14 =	simm.s32 $0x8800;
	s15 =	simm.s32 $0x9000  }
0x13: {  	s16 =	simm.s32 $0x9800;
	s17 =	simm.s32 $0xA000;
	s18 =	simm.s32 $0xA800  }
0x14: {  	s19 =	simm.s32 $0xB000;
	s20 =	simm.s32 $0xB800;
	s21 =	simm.s32 $0xC000  }
0x15: {  	s23 =	simm.s32 $0xD000;
	s24 =	simm.s32 $0xD800;
	s25 =	simm.s32 $0xE000  }
0x16: {  	s26 =	simm.s32 $0xE800;
	s8 =	sor.u32 s3, s8;
	[dreg:$0x5] =	wrdreg s10  }
0x17: {  	s3 =	sor.u32 s3, s7;
	[dreg:$0x6] =	wrdreg s11;
	s12 =	sadd.s32 s6, s5  }
0x18: {  	s13 =	sadd.s32 s9, s5;
	s5 =	smax.u32 s1, $0x1;
	s6 =	simm.s32 $0x5  }
0x19: {  	s7 =	simm.s32 $0x4000;
	s9 =	simm.s32 $0x6800;
	s10 =	simm.s32 $0x7000  }
0x1a: {  	s11 =	simm.s32 $0x7800;
	s1 =	simm.s32 $0x4;
	[dreg:$0x7] =	wrdreg s12  }
0x1b: {  	s8 =	sshrl.u32 s8, $0x3;
	s3 =	sshrl.u32 s3, $0x3;
	[dreg:$0x8] =	wrdreg s13  }
0x1c: {  	v2 =	vlaneseq.u32;
	s12 =	simm.s32 $0x1;
	s8 =	sadd.s32 s0, s8;
	s3 =	sor.u32 $0x10, s3  }
0x1d: {  	vm0 =	vmmov $0xffff;
	v1 =	vshrl.u32 v2, $0x3;
	s13 =	simm.s32 $0x8000;
	[dreg:$0x3] =	wrdreg s8;
	s3 =	sadd.s32 s0, s3  }
0x1e: {  	v0 =	vand.u32 $0x7, v2;
	v2 =	vor.u32 $0x8, v2;
	v1 =	vmul.u32 $0x8, v1;
	[dreg:$0x4] =	wrdreg s3;
	s3 =	sadd.s32 $0xB9C00, s4;
	s4 =	sadd.s32 $0xB9D00, s4  }
.LBB2_1:
0x1f: {  	s0 =	rddreg [dreg:$0x3]  }
0x20: {  	s8 =	rddreg [dreg:$0x9]  }
0x21: {  	[tilespmem:s8], [sflag:$0x5] =	stream.linear.gather [hbm4b:s0+s2], $0x40, $0x38;
	[tilespmem:$0x10300] =	vst v63  }
0x22: {  	_ =	swait.ge [sflag:s6], $0x40  }
0x23: {  	s0 =	rddreg [dreg:$0x4];
	[sflag:s6] =	ssyncset.done $0x0  }
0x24: {  	s8 =	rddreg [dreg:$0xa];
	[sflag:s6] =	ssyncadd.s32 $0xFFFFFFC0  }
0x25: {  	[tilespmem:s8], [sflag:$0x5] =	stream.linear.gather [hbm4b:s0+s2], $0x40, $0x38;
	[tilespmem:$0x10300] =	vst v63  }
0x26: {  	_ =	swait.ge [sflag:s6], $0x40  }
0x27: {  	[sflag:s6] =	ssyncset.done $0x0  }
0x28: {  	[sflag:s6] =	ssyncadd.s32 $0xFFFFFFC0  }
0x29: {  	v3 =	vld [tilespmem:$0x10000];
	_ =	sdelay $0x4  }
0x2a: {  	[tilespmem:$0x10100] =	vst v3  }
0x2b: {  	v3 =	vld [tilespmem:$0x10100];
	_ =	sdelay $0x4  }
0x2c: {  	v4 =	vshll.u32 v3, $0x2  }
0x2d: {  	v3 =	vand.u32 $0x7, v3;
	v4 =	vand.u32 $0xFFFFFFE0, v4  }
0x2e: {  	v5 =	vld [tilespmem:$0x10080];
	v3 =	vor.u32 v3, v4  }
0x2f: {  	v52 =	vld [tilespmem:$0x10010];
	v6 =	vperm.xlane v3, v0  }
0x30: {  	v7 =	vld [tilespmem:$0x10090]  }
0x31: {  	v6 =	vadd.s32 v1, v6;
	_ =	sdelay $0x1  }
0x32: {  	[tilespmem:$0x10180] =	vst v5;
	v3 =	vperm.xlane v3, v2  }
0x33: {  	[tilespmem:$0x10110] =	vst v52  }
0x34: {  	[tilespmem:$0x10190] =	vst v7;
	v3 =	vadd.s32 v1, v3  }
0x35: {  	[tilespmem:s2], [sflag:$0x1] =	stream.indirect_vreg.gather [hbm4b:s3+s2], $0x80, v6, vm0, $0xb8;
	[tilespmem:$0x10300] =	vst v63  }
0x36: {  	s0 =	rddreg [dreg:$0xb]  }
0x37: {  	[tilespmem:s0], [sflag:$0x1] =	stream.indirect_vreg.gather [hbm4b:s4+s2], $0x80, v6, vm0, $0xb8;
	[tilespmem:$0x10300] =	vst v63  }
0x38: {  	s8 =	rddreg [dreg:$0xc]  }
0x39: {  	[tilespmem:s8], [sflag:$0x1] =	stream.indirect_vreg.gather [hbm4b:s3+s2], $0x80, v3, vm0, $0xb8;
	[tilespmem:$0x10300] =	vst v63  }
0x3a: {  	s0 =	rddreg [dreg:$0xd]  }
0x3b: {  	[tilespmem:s0], [sflag:$0x1] =	stream.indirect_vreg.gather [hbm4b:s4+s2], $0x80, v3, vm0, $0xb8;
	[tilespmem:$0x10300] =	vst v63  }
0x3c: {  	v3 =	vld [tilespmem:$0x10110];
	_ =	sdelay $0x4  }
0x3d: {  	v53 =	vshll.u32 v3, $0x2  }
0x3e: {  	v3 =	vand.u32 $0x7, v3;
	v4 =	vand.u32 $0xFFFFFFE0, v53  }
0x3f: {  	v3 =	vor.u32 v3, v4  }
0x40: {  	v4 =	vperm.xlane v3, v0;
	_ =	sdelay $0x1  }
0x41: {  	v4 =	vadd.s32 v1, v4;
	_ =	sdelay $0x1  }
0x42: {  	v3 =	vperm.xlane v3, v2;
	_ =	sdelay $0x1  }
0x43: {  	s0 =	rddreg [dreg:$0xe];
	v3 =	vadd.s32 v1, v3  }
0x44: {  	[tilespmem:s0], [sflag:$0x1] =	stream.indirect_vreg.gather [hbm4b:s3+s2], $0x80, v4, vm0, $0xb8;
	[tilespmem:$0x10300] =	vst v63  }
0x45: {  	s8 =	rddreg [dreg:$0xf]  }
0x46: {  	[tilespmem:s8], [sflag:$0x1] =	stream.indirect_vreg.gather [hbm4b:s4+s2], $0x80, v4, vm0, $0xb8;
	[tilespmem:$0x10300] =	vst v63  }
0x47: {  	s0 =	rddreg [dreg:$0x10]  }
0x48: {  	[tilespmem:s0], [sflag:$0x1] =	stream.indirect_vreg.gather [hbm4b:s3+s2], $0x80, v3, vm0, $0xb8;
	[tilespmem:$0x10300] =	vst v63  }
0x49: {  	s8 =	rddreg [dreg:$0x11]  }
0x4a: {  	[tilespmem:s8], [sflag:$0x1] =	stream.indirect_vreg.gather [hbm4b:s4+s2], $0x80, v3, vm0, $0xb8;
	[tilespmem:$0x10300] =	vst v63  }
0x4b: {  	v3 =	vld [tilespmem:$0x10180];
	_ =	sdelay $0x4  }
0x4c: {  	v54 =	vshll.u32 v3, $0x2  }
0x4d: {  	v3 =	vand.u32 $0x7, v3;
	v4 =	vand.u32 $0xFFFFFFE0, v54  }
0x4e: {  	v3 =	vor.u32 v3, v4  }
0x4f: {  	v4 =	vperm.xlane v3, v0;
	_ =	sdelay $0x1  }
0x50: {  	v4 =	vadd.s32 v1, v4;
	_ =	sdelay $0x1  }
0x51: {  	v3 =	vperm.xlane v3, v2;
	_ =	sdelay $0x1  }
0x52: {  	v3 =	vadd.s32 v1, v3  }
0x53: {  	[tilespmem:s7], [sflag:$0x1] =	stream.indirect_vreg.gather [hbm4b:s3+s2], $0x80, v4, vm0, $0xb8;
	[tilespmem:$0x10300] =	vst v63  }
0x54: {  	s0 =	rddreg [dreg:$0x12]  }
0x55: {  	[tilespmem:s0], [sflag:$0x1] =	stream.indirect_vreg.gather [hbm4b:s4+s2], $0x80, v4, vm0, $0xb8;
	[tilespmem:$0x10300] =	vst v63  }
0x56: {  	s8 =	rddreg [dreg:$0x13]  }
0x57: {  	[tilespmem:s8], [sflag:$0x1] =	stream.indirect_vreg.gather [hbm4b:s3+s2], $0x80, v3, vm0, $0xb8;
	[tilespmem:$0x10300] =	vst v63  }
0x58: {  	s0 =	rddreg [dreg:$0x14]  }
0x59: {  	[tilespmem:s0], [sflag:$0x1] =	stream.indirect_vreg.gather [hbm4b:s4+s2], $0x80, v3, vm0, $0xb8;
	[tilespmem:$0x10300] =	vst v63  }
0x5a: {  	v3 =	vld [tilespmem:$0x10190];
	_ =	sdelay $0x4  }
0x5b: {  	v55 =	vshll.u32 v3, $0x2  }
0x5c: {  	v3 =	vand.u32 $0x7, v3;
	v4 =	vand.u32 $0xFFFFFFE0, v55  }
0x5d: {  	v3 =	vor.u32 v3, v4  }
0x5e: {  	v4 =	vperm.xlane v3, v0;
	_ =	sdelay $0x1  }
0x5f: {  	v4 =	vadd.s32 v1, v4;
	_ =	sdelay $0x1  }
0x60: {  	v3 =	vperm.xlane v3, v2;
	_ =	sdelay $0x1  }
0x61: {  	s8 =	simm.s32 $0x6000;
	v3 =	vadd.s32 v1, v3  }
0x62: {  	[tilespmem:s8], [sflag:$0x1] =	stream.indirect_vreg.gather [hbm4b:s3+s2], $0x80, v4, vm0, $0xb8;
	[tilespmem:$0x10300] =	vst v63  }
0x63: {  	_ = 	snop  }
0x64: {  	[tilespmem:s9], [sflag:$0x1] =	stream.indirect_vreg.gather [hbm4b:s4+s2], $0x80, v4, vm0, $0xb8;
	[tilespmem:$0x10300] =	vst v63  }
0x65: {  	_ = 	snop  }
0x66: {  	[tilespmem:s10], [sflag:$0x1] =	stream.indirect_vreg.gather [hbm4b:s3+s2], $0x80, v3, vm0, $0xb8;
	[tilespmem:$0x10300] =	vst v63  }
0x67: {  	_ = 	snop  }
0x68: {  	[tilespmem:s11], [sflag:$0x1] =	stream.indirect_vreg.gather [hbm4b:s4+s2], $0x80, v3, vm0, $0xb8;
	[tilespmem:$0x10300] =	vst v63  }
0x69: {  	_ =	swait.ge [sflag:s12], $0x4000  }
0x6a: {  	[sflag:s12] =	ssyncset.done $0x0  }
0x6b: {  	[sflag:s12] =	ssyncadd.s32 $0xFFFFC000  }
0x6c: {  	_ =	swait.ge [sflag:s12], $0x4000  }
0x6d: {  	[sflag:s12] =	ssyncset.done $0x0  }
0x6e: {  	[sflag:s12] =	ssyncadd.s32 $0xFFFFC000  }
0x6f: {  	v3 =	vld [tilespmem:$0x10020];
	_ =	sdelay $0x4  }
0x70: {  	[tilespmem:$0x10200] =	vst v3  }
0x71: {  	v3 =	vld [tilespmem:$0x10200];
	_ =	sdelay $0x4  }
0x72: {  	v56 =	vshll.u32 v3, $0x2  }
0x73: {  	v3 =	vand.u32 $0x7, v3;
	v4 =	vand.u32 $0xFFFFFFE0, v56  }
0x74: {  	v57 =	vld [tilespmem:$0x100A0];
	v3 =	vor.u32 v3, v4  }
0x75: {  	v58 =	vld [tilespmem:$0x10030];
	v59 =	vperm.xlane v3, v0  }
0x76: {  	v60 =	vld [tilespmem:$0x100B0]  }
0x77: {  	v6 =	vadd.s32 v1, v59;
	_ =	sdelay $0x1  }
0x78: {  	[tilespmem:$0x10280] =	vst v57;
	v3 =	vperm.xlane v3, v2  }
0x79: {  	[tilespmem:$0x10210] =	vst v58  }
0x7a: {  	[tilespmem:$0x10290] =	vst v60;
	v3 =	vadd.s32 v1, v3  }
0x7b: {  	[tilespmem:s13], [sflag:$0x2] =	stream.indirect_vreg.gather [hbm4b:s3+s2], $0x80, v6, vm0, $0xb8;
	[tilespmem:$0x10300] =	vst v63  }
0x7c: {  	_ = 	snop  }
0x7d: {  	[tilespmem:s14], [sflag:$0x2] =	stream.indirect_vreg.gather [hbm4b:s4+s2], $0x80, v6, vm0, $0xb8;
	[tilespmem:$0x10300] =	vst v63  }
0x7e: {  	_ = 	snop  }
0x7f: {  	[tilespmem:s15], [sflag:$0x2] =	stream.indirect_vreg.gather [hbm4b:s3+s2], $0x80, v3, vm0, $0xb8;
	[tilespmem:$0x10300] =	vst v63  }
0x80: {  	_ = 	snop  }
0x81: {  	[tilespmem:s16], [sflag:$0x2] =	stream.indirect_vreg.gather [hbm4b:s4+s2], $0x80, v3, vm0, $0xb8;
	[tilespmem:$0x10300] =	vst v63  }
0x82: {  	v3 =	vld [tilespmem:$0x10210];
	_ =	sdelay $0x4  }
0x83: {  	v61 =	vshll.u32 v3, $0x2  }
0x84: {  	v3 =	vand.u32 $0x7, v3;
	v4 =	vand.u32 $0xFFFFFFE0, v61  }
0x85: {  	v3 =	vor.u32 v3, v4  }
0x86: {  	v4 =	vperm.xlane v3, v0;
	_ =	sdelay $0x1  }
0x87: {  	v4 =	vadd.s32 v1, v4;
	_ =	sdelay $0x1  }
0x88: {  	v3 =	vperm.xlane v3, v2;
	_ =	sdelay $0x1  }
0x89: {  	v3 =	vadd.s32 v1, v3  }
0x8a: {  	[tilespmem:s17], [sflag:$0x2] =	stream.indirect_vreg.gather [hbm4b:s3+s2], $0x80, v4, vm0, $0xb8;
	[tilespmem:$0x10300] =	vst v63  }
0x8b: {  	_ = 	snop  }
0x8c: {  	[tilespmem:s18], [sflag:$0x2] =	stream.indirect_vreg.gather [hbm4b:s4+s2], $0x80, v4, vm0, $0xb8;
	[tilespmem:$0x10300] =	vst v63  }
0x8d: {  	_ = 	snop  }
0x8e: {  	[tilespmem:s19], [sflag:$0x2] =	stream.indirect_vreg.gather [hbm4b:s3+s2], $0x80, v3, vm0, $0xb8;
	[tilespmem:$0x10300] =	vst v63  }
0x8f: {  	_ = 	snop  }
0x90: {  	[tilespmem:s20], [sflag:$0x2] =	stream.indirect_vreg.gather [hbm4b:s4+s2], $0x80, v3, vm0, $0xb8;
	[tilespmem:$0x10300] =	vst v63  }
0x91: {  	v3 =	vld [tilespmem:$0x10280];
	_ =	sdelay $0x4  }
0x92: {  	v62 =	vshll.u32 v3, $0x2  }
0x93: {  	v3 =	vand.u32 $0x7, v3;
	v4 =	vand.u32 $0xFFFFFFE0, v62  }
0x94: {  	v3 =	vor.u32 v3, v4  }
0x95: {  	v4 =	vperm.xlane v3, v0;
	_ =	sdelay $0x1  }
0x96: {  	v4 =	vadd.s32 v1, v4;
	_ =	sdelay $0x1  }
0x97: {  	v3 =	vperm.xlane v3, v2;
	_ =	sdelay $0x1  }
0x98: {  	v3 =	vadd.s32 v1, v3  }
0x99: {  	[tilespmem:s21], [sflag:$0x2] =	stream.indirect_vreg.gather [hbm4b:s3+s2], $0x80, v4, vm0, $0xb8;
	[tilespmem:$0x10300] =	vst v63  }
0x9a: {  	_ = 	snop  }
0x9b: {  	[tilespmem:s22], [sflag:$0x2] =	stream.indirect_vreg.gather [hbm4b:s4+s2], $0x80, v4, vm0, $0xb8;
	[tilespmem:$0x10300] =	vst v63  }
0x9c: {  	_ = 	snop  }
0x9d: {  	[tilespmem:s23], [sflag:$0x2] =	stream.indirect_vreg.gather [hbm4b:s3+s2], $0x80, v3, vm0, $0xb8;
	[tilespmem:$0x10300] =	vst v63  }
0x9e: {  	_ = 	snop  }
0x9f: {  	[tilespmem:s24], [sflag:$0x2] =	stream.indirect_vreg.gather [hbm4b:s4+s2], $0x80, v3, vm0, $0xb8;
	[tilespmem:$0x10300] =	vst v63  }
0xa0: {  	v3 =	vld [tilespmem:$0x10290];
	_ =	sdelay $0x4  }
0xa1: {  	v63 =	vshll.u32 v3, $0x2  }
0xa2: {  	v3 =	vand.u32 $0x7, v3;
	v4 =	vand.u32 $0xFFFFFFE0, v63  }
0xa3: {  	v3 =	vor.u32 v3, v4  }
0xa4: {  	v4 =	vperm.xlane v3, v0;
	_ =	sdelay $0x1  }
0xa5: {  	v4 =	vadd.s32 v1, v4;
	_ =	sdelay $0x1  }
0xa6: {  	v3 =	vperm.xlane v3, v2;
	_ =	sdelay $0x1  }
0xa7: {  	v3 =	vadd.s32 v1, v3  }
0xa8: {  	[tilespmem:s25], [sflag:$0x2] =	stream.indirect_vreg.gather [hbm4b:s3+s2], $0x80, v4, vm0, $0xb8;
	[tilespmem:$0x10300] =	vst v63  }
0xa9: {  	_ = 	snop  }
0xaa: {  	[tilespmem:s26], [sflag:$0x2] =	stream.indirect_vreg.gather [hbm4b:s4+s2], $0x80, v4, vm0, $0xb8;
	[tilespmem:$0x10300] =	vst v63  }
0xab: {  	_ = 	snop  }
0xac: {  	[tilespmem:s28], [sflag:$0x2] =	stream.indirect_vreg.gather [hbm4b:s3+s2], $0x80, v3, vm0, $0xb8;
	[tilespmem:$0x10300] =	vst v63  }
0xad: {  	_ = 	snop  }
0xae: {  	[tilespmem:s29], [sflag:$0x2] =	stream.indirect_vreg.gather [hbm4b:s4+s2], $0x80, v3, vm0, $0xb8;
	[tilespmem:$0x10300] =	vst v63  }
0xaf: {  	s0 =	rddreg [dreg:$0x5]  }
0xb0: {  	[hbm4b:s0+s2] =	stream.linear.scatter [tilespmem:s2], [sflag:$0x3], $0x4000, $0x38;
	[tilespmem:$0x10300] =	vst v63  }
0xb1: {  	s8 =	rddreg [dreg:$0x6]  }
0xb2: {  	[hbm4b:s8+s2] =	stream.linear.scatter [tilespmem:s7], [sflag:$0x3], $0x4000, $0x38;
	[tilespmem:$0x10300] =	vst v63  }
0xb3: {  	_ =	swait.ge [sflag:s30], $0x4000  }
0xb4: {  	[sflag:s30] =	ssyncset.done $0x0  }
0xb5: {  	[sflag:s30] =	ssyncadd.s32 $0xFFFFC000  }
0xb6: {  	_ =	swait.ge [sflag:s30], $0x4000  }
0xb7: {  	[sflag:s30] =	ssyncset.done $0x0  }
0xb8: {  	s0 =	rddreg [dreg:$0x7];
	[sflag:s30] =	ssyncadd.s32 $0xFFFFC000  }
0xb9: {  	[hbm4b:s0+s2] =	stream.linear.scatter [tilespmem:s13], [sflag:$0x4], $0x4000, $0x38;
	[tilespmem:$0x10300] =	vst v63  }
0xba: {  	s8 =	rddreg [dreg:$0x8]  }
0xbb: {  	[hbm4b:s8+s2] =	stream.linear.scatter [tilespmem:s21], [sflag:$0x4], $0x4000, $0x38;
	[tilespmem:$0x10300] =	vst v63  }
0xbc: {  	_ =	swait.ge [sflag:s31], $0x4000  }
0xbd: {  	[sflag:s31] =	ssyncset.done $0x0  }
0xbe: {  	[sflag:s31] =	ssyncadd.s32 $0xFFFFC000  }
0xbf: {  	_ =	swait.ge [sflag:s31], $0x4000  }
0xc0: {  	[sflag:s31] =	ssyncset.done $0x0  }
0xc1: {  	[sflag:s31] =	ssyncadd.s32 $0xFFFFC000  }
0xc2: {  	p0 =	sne.s32 s5, $0x1;
	_ =	swait.ge [sflag:s1], $0x4000  }
.Ltmp0:
0xc3: {  	[sflag:s1] =	ssyncset.done $0x0;
	(pc) =	sbr.rel @p0 .LBB2_1-.Ltmp0, $4  }
0xc4: {  	[sflag:s1] =	ssyncadd.s32 $0xFFFFC000  }
0xc5: {  	_ =	swait.ge [sflag:s1], $0x4000  }
0xc6: {  	[sflag:s1] =	ssyncset.done $0x0  }
0xc7: {  	s5 =	sadd.s32 $0xFFFFFFFF, s5;
	[sflag:s1] =	ssyncadd.s32 $0xFFFFC000  }
0xc8: {  	_ =	sfence.sel $0x180000  }
0xc9: {  	[bflag:$0x0] =	sbarrier.arrive $0xFFFF  }
0xca: {  	_ =	strace $0x9000004A  }
0xcb: {  	s0 =	stileid.u32;
	[bflag:$0x2] =	sbarrier.arrive $0xFFFF  }
0xcc: {  	p0 =	sne.s32 s0, $0x0;
	s0 =	rddreg [dreg:$0x2]  }
0xcd: {  	s0 =	sadd.s32 @!p0 $0x100000, s0  }
0xce: {  	[sflag:s0] =	ssyncadd.tile.s32 @!p0 $0x1;
	_ =	shalt  }
.Lfunc_end2:
_tile_overlayer_lowered:
.L_overlay_start_2:
0xcf: {  	(tag) =	ssettag $0x2  }
0xd0: {  	s0 =	rddreg [dreg:$0x0];
	s2 =	stileid.u32  }
0xd1: {  	s1 =	rddreg [dreg:$0x1];
	p0 =	sne.s32 s2, $0x0  }
0xd2: {  	s3 =	rddreg [dreg:$0x2];
	[bflag:$0x3] =	sbarrier.arrive $0xFFFF;
	s2 =	simm.s32 @!p0 $0x1C05  }
0xd3: {  	[timem:s3], [sflag:s2] =	dma.local @!p0 [hbm:s0], s1  }
0xd4: {  	s0 =	simm.s32 @!p0 $0x5  }
0xd5: {  	_ =	swait.ge @!p0 [sflag:s0], s1  }
0xd6: {  	s1 =	ssub.s32 @!p0 $0x0, s1;
	[sflag:s0] =	ssyncset.done @!p0 $0x0  }
0xd7: {  	[sflag:s0] =	ssyncadd.s32 @!p0 s1  }
0xd8: {  	[bflag:$0x3] =	sbarrier.arrive $0xFFFF  }
0xd9: {  	_ =	shalt  }

// kernel: kernel.7.cloned.1.call-start
scs
__scs_entry_jumppad:
0x0: {  	(pc) =	sbr.rel $0x88, $3  }
0x1: {  	(tag) =	ssettag $0x0;
	lr =	simm.s32 $0x1  }
0x2: {  	[smem:$0x3F9C] =	sst lr;
	_ =	strace $0xD0000000  }
0x3: {  	_ = 	snop  }
0x4: {  	_ = 	snop  }
0x5: {  	_ = 	snop  }
0x6: {  	_ = 	snop  }
0x7: {  	_ = 	snop  }
__scs_overlays_trampoline_lowered:
0x8: {  	[smem:$0x3FAB] =	sst s0  }
0x9: {  	[smem:$0x3FAC] =	sst s1  }
0xa: {  	[smem:$0x3FAD] =	sst s2  }
0xb: {  	[smem:$0x3FAE] =	sst s3  }
0xc: {  	[smem:$0x3FAF] =	sst s4  }
0xd: {  	[smem:$0x3FB0] =	sst s5  }
0xe: {  	[smem:$0x3FB1] =	sst s6  }
0xf: {  	[smem:$0x3FB2] =	sst s7  }
0x10: {  	[smem:$0x3FB3] =	sst s8  }
0x11: {  	[smem:$0x3FB4] =	sst s9;
	s0 =	simm.s32 @!p0 $0x0  }
0x12: {  	s1 =	sld [smem:$0x3F9A];
	s0 =	simm.s32 @p0 $0x1  }
0x13: {  	[smem:$0x3FB5] =	sst s0;
	s0 =	simm.s32 @!p1 $0x0  }
0x14: {  	s2 =	sld [smem:$0x3F99];
	s0 =	simm.s32 @p1 $0x1  }
0x15: {  	[smem:$0x3FB6] =	sst s0;
	s0 =	simm.s32 @!p2 $0x0  }
0x16: {  	s3 =	sld [smem:$0x3FDB];
	s0 =	simm.s32 @p2 $0x1  }
0x17: {  	s4 =	simm.s32 $0x1BF5;
	[smem:$0x3FB8] =	sst s0  }
0x18: {  	s0 =	sld [smem:$0x3F9B];
	_ =	swait.ge [sflag:s4], $0x0  }
0x19: {  	s7 =	sld [smem:$0x3F9C]  }
0x1a: {  	s8 =	sadd.s32 $0xFFFFE003, lr  }
0x1b: {  	s9 =	sadd.s32 $0xFFFFFEF7, lr;
	s5 =	simm.s32 $0xFFFFFFFF;
	p2 =	slt.u32 s8, $0xFFFFF086  }
0x1c: {  	p1 =	slt.u32 s9, $0xF7A;
	s5 =	simm.s32 @!p2 $0x0  }
0x1d: {  	s5 =	simm.s32 @p1 $0x1;
	p0 =	seq.s32 s7, s2  }
0x1e: {  	s7 =	smul.u32 @!p0 $0xF7A, s2;
	p2 =	seq.s32 @!p0 s5, $0x0  }
0x1f: {  	s9 =	smul.u32 $0xF7A, s1;
	s8 =	simm.s32 @!p0 $0x1BF5;
	p2 =	por !p2, p0  }
0x20: {  	[sflag:s8] =	ssyncset.s32 @!p0 $0xFFFFF086;
	s6 =	sadd.s32 @!p0 s3, s7;
	s7 =	simm.s32 @!p0 $0x108  }
0x21: {  	s3 =	sadd.s32 s3, s9;
	s6 =	sadd.s32 @!p0 $0x88, s6;
	s7 =	simm.s32 @p2 $0x1082  }
0x22: {  	[simem:s7], [sflag:s8] =	dma.local @!p0 [hbm:s6], $0xF7A  }
0x23: {  	s9 =	sor.u32 $0xD0000000, s2;
	s6 =	simm.s32 $0x108;
	_ =	swait.ge @!p0 [sflag:s8], $0x0  }
0x24: {  	s3 =	sadd.s32 $0x88, s3;
	s6 =	simm.s32 @!p1 $0x1082;
	[sflag:s4] =	ssyncset.s32 $0xFFFFF086  }
0x25: {  	[simem:s6], [sflag:s4] =	dma.local [hbm:s3], $0xF7A  }
0x26: {  	[smem:$0x3F9C] =	sst s1;
	(tag) =	ssettag s2;
	_ =	strace s9  }
0x27: {  	s1 =	sld [smem:$0x3FAC]  }
0x28: {  	s2 =	sld [smem:$0x3FAD]  }
0x29: {  	s4 =	sld [smem:$0x3FAF]  }
0x2a: {  	p0 =	seq.s32 s5, $0x0;
	s5 =	sld [smem:$0x3FB0]  }
0x2b: {  	s6 =	sld [smem:$0x3FB1]  }
0x2c: {  	s7 =	sld [smem:$0x3FB2]  }
0x2d: {  	s3 =	simm.s32 $0x108;
	s8 =	sld [smem:$0x3FB3]  }
0x2e: {  	s3 =	simm.s32 @!p0 $0x1082;
	s9 =	sld [smem:$0x3FB4]  }
0x2f: {  	lr =	sadd.s32 s0, s3;
	s0 =	sld [smem:$0x3FAB]  }
0x30: {  	s3 =	sld [smem:$0x3FAE]  }
0x31: {  	[smem:$0x3FB7] =	sst s10  }
0x32: {  	s10 =	sld [smem:$0x3FB5];
	_ =	sdelay $0x3  }
0x33: {  	p0 =	seq.s32 s10, $0x1;
	s10 =	sld [smem:$0x3FB7];
	_ =	sdelay $0x3  }
0x34: {  	[smem:$0x3FB7] =	sst s10  }
0x35: {  	s10 =	sld [smem:$0x3FB6];
	_ =	sdelay $0x3  }
0x36: {  	p1 =	seq.s32 s10, $0x1;
	s10 =	sld [smem:$0x3FB7];
	_ =	sdelay $0x3  }
0x37: {  	[smem:$0x3FB7] =	sst s10  }
0x38: {  	s10 =	sld [smem:$0x3FB8]  }
0x39: {  	_ = 	snop;
	(pc) =	sbr.ind lr, $3  }
0x3a: {  	_ = 	snop  }
0x3b: {  	_ = 	snop  }
0x3c: {  	p2 =	seq.s32 s10, $0x1;
	s10 =	sld [smem:$0x3FB7]  }
0x3d: {  	_ =	shalt  }
0x3e: {  	_ =	shalt  }
0x3f: {  	_ =	shalt  }
0x40: {  	_ =	shalt  }
0x41: {  	_ =	shalt  }
0x42: {  	_ =	shalt  }
0x43: {  	_ =	shalt  }
0x44: {  	_ =	shalt  }
0x45: {  	_ =	shalt  }
0x46: {  	_ =	shalt  }
0x47: {  	_ =	shalt  }
0x48: {  	_ =	shalt  }
0x49: {  	_ =	shalt  }
0x4a: {  	_ =	shalt  }
0x4b: {  	_ =	shalt  }
0x4c: {  	_ =	shalt  }
0x4d: {  	_ =	shalt  }
0x4e: {  	_ =	shalt  }
0x4f: {  	_ =	shalt  }
0x50: {  	_ =	shalt  }
0x51: {  	_ =	shalt  }
0x52: {  	_ =	shalt  }
0x53: {  	_ =	shalt  }
0x54: {  	_ =	shalt  }
0x55: {  	_ =	shalt  }
0x56: {  	_ =	shalt  }
0x57: {  	_ =	shalt  }
0x58: {  	_ =	shalt  }
0x59: {  	_ =	shalt  }
0x5a: {  	_ =	shalt  }
0x5b: {  	_ =	shalt  }
0x5c: {  	_ =	shalt  }
0x5d: {  	_ =	shalt  }
0x5e: {  	_ =	shalt  }
0x5f: {  	_ =	shalt  }
0x60: {  	_ =	shalt  }
0x61: {  	_ =	shalt  }
0x62: {  	_ =	shalt  }
0x63: {  	_ =	shalt  }
0x64: {  	_ =	shalt  }
0x65: {  	_ =	shalt  }
0x66: {  	_ =	shalt  }
0x67: {  	_ =	shalt  }
0x68: {  	_ =	shalt  }
0x69: {  	_ =	shalt  }
0x6a: {  	_ =	shalt  }
0x6b: {  	_ =	shalt  }
0x6c: {  	_ =	shalt  }
0x6d: {  	_ =	shalt  }
0x6e: {  	_ =	shalt  }
0x6f: {  	_ =	shalt  }
0x70: {  	_ =	shalt  }
0x71: {  	_ =	shalt  }
0x72: {  	_ =	shalt  }
0x73: {  	_ =	shalt  }
0x74: {  	_ =	shalt  }
0x75: {  	_ =	shalt  }
0x76: {  	_ =	shalt  }
0x77: {  	_ =	shalt  }
0x78: {  	_ =	shalt  }
0x79: {  	_ =	shalt  }
0x7a: {  	_ =	shalt  }
0x7b: {  	_ =	shalt  }
0x7c: {  	_ =	shalt  }
0x7d: {  	_ =	shalt  }
0x7e: {  	_ =	shalt  }
0x7f: {  	_ =	shalt  }
0x80: {  	_ =	shalt  }
0x81: {  	_ =	shalt  }
0x82: {  	_ =	shalt  }
0x83: {  	_ =	shalt  }
0x84: {  	_ =	shalt  }
0x85: {  	_ =	shalt  }
0x86: {  	_ =	shalt  }
0x87: {  	_ =	shalt  }
.Lfunc_end0:
.L_simem_size_0:
called_computation_lowered:
.L_overlay_start_0:
0x88: {  	s2 =	sld [smem:$0x3FD9]  }
0x89: {  	s3 =	sld [smem:$0x3FFE];
	_ =	sdelay $0x1  }
0x8a: {  	s1 =	srdreg.scid  }
0x8b: {  	s0 =	sand.u32 $0x1, s1  }
0x8c: {  	s17 =	sshll.u32 s0, $0xA;
	s2 =	sadd.s32 s3, s2  }
0x8d: {  	s2 =	sadd.s32 s2, s17  }
0x8e: {  	[smem:$0x3FC3] =	sst s2  }
0x8f: {  	_ = 	snop  }
0x90: {  	s2 =	sld [smem:$0x3FD0];
	(tm) =	ssettm $0x1  }
0x91: {  	s18 =	sld [smem:$0x3FFB];
	_ =	sdelay $0x3  }
0x92: {  	_ =	strace s18  }
0x93: {  	s3 =	sld [smem:$0x3FFC];
	_ =	sdelay $0x3  }
0x94: {  	_ =	strace s3  }
0x95: {  	s3 =	sld [smem:$0x3FFD];
	_ =	sdelay $0x3  }
0x96: {  	_ =	strace s3  }
0x97: {  	_ =	strace $0x8FFFFFFF  }
0x98: {  	s19 =	sld [smem:$0x3FDB];
	_ =	sdelay $0x1  }
0x99: {  	s4 =	simm.s32 $_scs_section_size  }
0x9a: {  	s5 =	simm.s32 $_size__tile_overlayer_lowered;
	s6 =	simm.s32 $_tile_overlayer_lowered  }
0x9b: {  	s22 =	simm.s32 $0x1BFF;
	s21 =	sshll.u32 s6, $0x1;
	s3 =	sadd.s32 s4, s19  }
0x9c: {  	s7 =	simm.s32 $0x0;
	s20 =	sshll.u32 s5, $0x1;
	s5 =	sadd.s32 s21, s3  }
0x9d: {  	[timem:s7], [sflag:s22] =	dma.local [hbm:s5], s20  }
0x9e: {  	_ =	swait.ge [sflag:s22], s20  }
0x9f: {  	s4 =	ssub.s32 $0x0, s20;
	[sflag:s22] =	ssyncset.done $0x0  }
0xa0: {  	[sflag:s22] =	ssyncadd.s32 s4;
	_ =	sdelay $0x1  }
0xa1: {  	s23 =	simm.s32 $0x1B8B  }
0xa2: {  	_ =	swait.ge [sflag:s23], $0x1  }
0xa3: {  	[sflag:s23] =	ssyncset.done $0x0  }
0xa4: {  	s25 =	simm.s32 $0x1B8E;
	s24 =	sld [smem:$0x3FFE];
	[sflag:s23] =	ssyncadd.s32 $0xFFFFFFFF  }
0xa5: {  	s26 =	simm.s32 $execute0_lowered;
	[smem:$0x3FD2] =	sst s25  }
0xa6: {  	s5 =	sshll.u32 s26, $0x1;
	_ =	strace $0x80000046;
	[dreg:$0x1] =	wrdreg $0xFFFFFFFF  }
0xa7: {  	s28 =	simm.s32 $_size_execute0_lowered;
	s3 =	sadd.s32 s3, s5;
	[dreg:$0x0] =	wrdreg $0x0  }
0xa8: {  	s5 =	sshll.u32 s28, $0x1;
	[dreg:$0x2] =	wrdreg s3  }
0xa9: {  	[dreg:$0x3] =	wrdreg s5  }
0xaa: {  	[dreg:$0x4] =	wrdreg $0xC0  }
0xab: {  	_ =	task [dreg:s7], $0x5FFFF  }
0xac: {  	[dreg:$0x1] =	wrdreg $0xFFFFFFFF  }
0xad: {  	[dreg:$0x0] =	wrdreg $0x60  }
0xae: {  	[dreg:$0x2] =	wrdreg s2  }
0xaf: {  	[dreg:$0x3] =	wrdreg s24  }
0xb0: {  	[dreg:$0x4] =	wrdreg $0x9  }
0xb1: {  	_ =	task.clear_ibuf [dreg:s7], $0x5FFFF;
	_ =	strace $0x90000046  }
0xb2: {  	s29 =	simm.s32 $0x9;
	_ =	strace $0x80000048  }
0xb3: {  	_ =	swait.ge [sflag:s29], $0x1  }
0xb4: {  	[sflag:s29] =	ssyncadd.s32 $0xFFFFFFFF  }
0xb5: {  	_ =	strace $0x90000048  }
0xb6: {  	_ =	sfence  }
0xb7: {  	s30 =	sld [smem:$0x0];
	_ =	sdelay $0x2  }
0xb8: {  	s31 =	sshll.u32 s1, $0xD;
	s1 =	sshrl.u32 s1, $0x2  }
0xb9: {  	s3 =	sand.u32 $0x4000, s31;
	s1 =	sadd.s32 s1, s30  }
0xba: {  	s0 =	sor.u32 s3, s0;
	s1 =	sshll.u32 s1, $0x11  }
0xbb: {  	s0 =	sor.u32 s1, s0  }
0xbc: {  	s0 =	sadd.s32 $0x8F2B, s0  }
0xbd: {  	[sflag:s0] =	ssyncadd.remote.s32 $0x1  }
0xbe: {  	_ =	sfence.sel $0xFFFF  }
0xbf: {  	[dreg:$0x0] =	wrdreg $0xFFFFFFFF;
	(pc) =	sbr.abs _section_cstart, $3  }
0xc0: {  	[dreg:$0x1] =	wrdreg $0xFFFFFFFF  }
0xc1: {  	_ =	task.clear_ibuf [dreg:s7], $0x2FFFF;
	_ =	strace $0x9FFFFFFF  }
0xc2: {  	(tm) =	ssettm $0x7FFFFFFF  }
0xc3: {  	_ =	shalt  }
tec
execute0_lowered:
.L_overlay_start_1:
0x0: {  	(tag) =	ssettag $0x1  }
0x1: {  	s6 =	rddreg [dreg:$0x0]  }
0x2: {  	s7 =	rddreg [dreg:$0x1];
	s2 =	srdreg.scid  }
0x3: {  	s0 =	rddreg [dreg:$0x2];
	s1 =	stileid.u32  }
0x4: {  	s13 =	simm.s32 $0x1000;
	s14 =	simm.s32 $0x1800;
	s15 =	simm.s32 $0x2000  }
0x5: {  	s16 =	simm.s32 $0x2800;
	s17 =	simm.s32 $0x3000;
	s18 =	simm.s32 $0x3800  }
0x6: {  	s19 =	simm.s32 $0x4000;
	s20 =	simm.s32 $0x4800;
	s21 =	simm.s32 $0x5000  }
0x7: {  	s22 =	simm.s32 $0x5800;
	s23 =	simm.s32 $0x6000;
	s24 =	simm.s32 $0x6800  }
0x8: {  	s25 =	simm.s32 $0x7000;
	s26 =	simm.s32 $0x7800;
	s28 =	simm.s32 $0x1  }
0x9: {  	s29 =	simm.s32 $0x2;
	s4 =	sand.u32 $0x1, s2;
	s2 =	simm.s32 $0x0  }
0xa: {  	s3 =	sshll.u32 s1, $0x7;
	s9 =	sadd.s32 $0x1A00, s7;
	s5 =	sshll.u32 s4, $0x6  }
0xb: {  	[smem:$0x7FF] =	sst s2;
	s4 =	ssub.s32 $0x2, s4;
	s8 =	sor.u32 s5, s3  }
0xc: {  	_ =	strace $0x80000047;
	s3 =	sadd.s32 $0x1C00, s7;
	s12 =	sshrl.u32 s4, $0x1  }
0xd: {  	s7 =	sadd.s32 $0x1D00, s7;
	s10 =	sshll.u32 s8, $0x1;
	s30 =	ssub.s32 s4, s12  }
0xe: {  	s8 =	sshll.u32 s8, $0x6;
	s12 =	simm.s32 $0x800;
	s11 =	sand.u32 $0xF00, s10  }
0xf: {  	s6 =	sadd.s32 s6, s8;
	s11 =	sor.u32 s5, s11;
	s5 =	sor.u32 s5, s10  }
0x10: {  	v2 =	vlaneseq.u32;
	s8 =	smax.u32 s30, $0x1;
	s10 =	simm.s32 $0x3;
	s5 =	sshrl.u32 s5, $0x3  }
0x11: {  	vm0 =	vmmov $0xffff;
	v1 =	vshrl.u32 v2, $0x3;
	s31 =	sshrl.u32 s11, $0x3;
	s11 =	simm.s32 $0x8080;
	s5 =	sor.u32 $0x10, s5  }
0x12: {  	v0 =	vand.u32 $0x7, v2;
	v2 =	vor.u32 $0x8, v2;
	v1 =	vmul.u32 $0x8, v1;
	s4 =	sadd.s32 s9, s31;
	s5 =	sadd.s32 s9, s5;
	s9 =	simm.s32 $0x8000  }
.LBB2_1:
0x13: {  	[tilespmem:s9], [sflag:$0x3] =	stream.linear.gather [hbm4b:s4+s2], $0x40, $0x38;
	[tilespmem:$0x8100] =	vst v63  }
0x14: {  	_ =	swait.ge [sflag:s10], $0x40  }
0x15: {  	[sflag:s10] =	ssyncset.done $0x0  }
0x16: {  	[sflag:s10] =	ssyncadd.s32 $0xFFFFFFC0  }
0x17: {  	[tilespmem:s11], [sflag:$0x3] =	stream.linear.gather [hbm4b:s5+s2], $0x40, $0x38;
	[tilespmem:$0x8100] =	vst v63  }
0x18: {  	_ =	swait.ge [sflag:s10], $0x40  }
0x19: {  	[sflag:s10] =	ssyncset.done $0x0  }
0x1a: {  	[sflag:s10] =	ssyncadd.s32 $0xFFFFFFC0  }
0x1b: {  	[tilespmem:s2], [sflag:$0x3] =	stream.linear.gather [hbm4b:s6+s2], $0x8000, $0x38;
	[tilespmem:$0x8100] =	vst v63  }
0x1c: {  	_ =	swait.ge [sflag:s10], $0x8000  }
0x1d: {  	[sflag:s10] =	ssyncset.done $0x0  }
0x1e: {  	[sflag:s10] =	ssyncadd.s32 $0xFFFF8000  }
0x1f: {  	v3 =	vld [tilespmem:$0x8000];
	_ =	sdelay $0x4  }
0x20: {  	v4 =	vshll.u32 v3, $0x2  }
0x21: {  	v3 =	vand.u32 $0x7, v3;
	v4 =	vand.u32 $0xFFFFFFE0, v4  }
0x22: {  	v3 =	vor.u32 v3, v4  }
0x23: {  	v4 =	vperm.xlane v3, v0;
	_ =	sdelay $0x1  }
0x24: {  	v4 =	vadd.s32 v1, v4;
	_ =	sdelay $0x1  }
0x25: {  	v3 =	vperm.xlane v3, v2;
	_ =	sdelay $0x1  }
0x26: {  	v3 =	vadd.s32 v1, v3  }
0x27: {  	[hbm4b:s3+s2] =	stream.indirect_vreg.scatter [tilespmem:s2], [sflag:$0x1], $0x80, v4, vm0, $0xb8;
	[tilespmem:$0x8100] =	vst v63  }
0x28: {  	_ = 	snop  }
0x29: {  	[hbm4b:s7+s2] =	stream.indirect_vreg.scatter [tilespmem:s12], [sflag:$0x1], $0x80, v4, vm0, $0xb8;
	[tilespmem:$0x8100] =	vst v63  }
0x2a: {  	_ = 	snop  }
0x2b: {  	[hbm4b:s3+s2] =	stream.indirect_vreg.scatter [tilespmem:s13], [sflag:$0x1], $0x80, v3, vm0, $0xb8;
	[tilespmem:$0x8100] =	vst v63  }
0x2c: {  	_ = 	snop  }
0x2d: {  	[hbm4b:s7+s2] =	stream.indirect_vreg.scatter [tilespmem:s14], [sflag:$0x1], $0x80, v3, vm0, $0xb8;
	[tilespmem:$0x8100] =	vst v63  }
0x2e: {  	v3 =	vld [tilespmem:$0x8010];
	_ =	sdelay $0x4  }
0x2f: {  	v57 =	vshll.u32 v3, $0x2  }
0x30: {  	v3 =	vand.u32 $0x7, v3;
	v4 =	vand.u32 $0xFFFFFFE0, v57  }
0x31: {  	v3 =	vor.u32 v3, v4  }
0x32: {  	v4 =	vperm.xlane v3, v0;
	_ =	sdelay $0x1  }
0x33: {  	v4 =	vadd.s32 v1, v4;
	_ =	sdelay $0x1  }
0x34: {  	v3 =	vperm.xlane v3, v2;
	_ =	sdelay $0x1  }
0x35: {  	v3 =	vadd.s32 v1, v3  }
0x36: {  	[hbm4b:s3+s2] =	stream.indirect_vreg.scatter [tilespmem:s15], [sflag:$0x1], $0x80, v4, vm0, $0xb8;
	[tilespmem:$0x8100] =	vst v63  }
0x37: {  	_ = 	snop  }
0x38: {  	[hbm4b:s7+s2] =	stream.indirect_vreg.scatter [tilespmem:s16], [sflag:$0x1], $0x80, v4, vm0, $0xb8;
	[tilespmem:$0x8100] =	vst v63  }
0x39: {  	_ = 	snop  }
0x3a: {  	[hbm4b:s3+s2] =	stream.indirect_vreg.scatter [tilespmem:s17], [sflag:$0x1], $0x80, v3, vm0, $0xb8;
	[tilespmem:$0x8100] =	vst v63  }
0x3b: {  	_ = 	snop  }
0x3c: {  	[hbm4b:s7+s2] =	stream.indirect_vreg.scatter [tilespmem:s18], [sflag:$0x1], $0x80, v3, vm0, $0xb8;
	[tilespmem:$0x8100] =	vst v63  }
0x3d: {  	v3 =	vld [tilespmem:$0x8020];
	_ =	sdelay $0x4  }
0x3e: {  	v58 =	vshll.u32 v3, $0x2  }
0x3f: {  	v3 =	vand.u32 $0x7, v3;
	v4 =	vand.u32 $0xFFFFFFE0, v58  }
0x40: {  	v3 =	vor.u32 v3, v4  }
0x41: {  	v4 =	vperm.xlane v3, v0;
	_ =	sdelay $0x1  }
0x42: {  	v4 =	vadd.s32 v1, v4;
	_ =	sdelay $0x1  }
0x43: {  	v3 =	vperm.xlane v3, v2;
	_ =	sdelay $0x1  }
0x44: {  	v3 =	vadd.s32 v1, v3  }
0x45: {  	[hbm4b:s3+s2] =	stream.indirect_vreg.scatter [tilespmem:s19], [sflag:$0x1], $0x80, v4, vm0, $0xb8;
	[tilespmem:$0x8100] =	vst v63  }
0x46: {  	_ = 	snop  }
0x47: {  	[hbm4b:s7+s2] =	stream.indirect_vreg.scatter [tilespmem:s20], [sflag:$0x1], $0x80, v4, vm0, $0xb8;
	[tilespmem:$0x8100] =	vst v63  }
0x48: {  	_ = 	snop  }
0x49: {  	[hbm4b:s3+s2] =	stream.indirect_vreg.scatter [tilespmem:s21], [sflag:$0x1], $0x80, v3, vm0, $0xb8;
	[tilespmem:$0x8100] =	vst v63  }
0x4a: {  	_ = 	snop  }
0x4b: {  	[hbm4b:s7+s2] =	stream.indirect_vreg.scatter [tilespmem:s22], [sflag:$0x1], $0x80, v3, vm0, $0xb8;
	[tilespmem:$0x8100] =	vst v63  }
0x4c: {  	v3 =	vld [tilespmem:$0x8030];
	_ =	sdelay $0x4  }
0x4d: {  	v59 =	vshll.u32 v3, $0x2  }
0x4e: {  	v3 =	vand.u32 $0x7, v3;
	v4 =	vand.u32 $0xFFFFFFE0, v59  }
0x4f: {  	v3 =	vor.u32 v3, v4  }
0x50: {  	v4 =	vperm.xlane v3, v0;
	_ =	sdelay $0x1  }
0x51: {  	v4 =	vadd.s32 v1, v4;
	_ =	sdelay $0x1  }
0x52: {  	v3 =	vperm.xlane v3, v2;
	_ =	sdelay $0x1  }
0x53: {  	v3 =	vadd.s32 v1, v3  }
0x54: {  	[hbm4b:s3+s2] =	stream.indirect_vreg.scatter [tilespmem:s23], [sflag:$0x1], $0x80, v4, vm0, $0xb8;
	[tilespmem:$0x8100] =	vst v63  }
0x55: {  	_ = 	snop  }
0x56: {  	[hbm4b:s7+s2] =	stream.indirect_vreg.scatter [tilespmem:s24], [sflag:$0x1], $0x80, v4, vm0, $0xb8;
	[tilespmem:$0x8100] =	vst v63  }
0x57: {  	_ = 	snop  }
0x58: {  	[hbm4b:s3+s2] =	stream.indirect_vreg.scatter [tilespmem:s25], [sflag:$0x1], $0x80, v3, vm0, $0xb8;
	[tilespmem:$0x8100] =	vst v63  }
0x59: {  	_ = 	snop  }
0x5a: {  	[hbm4b:s7+s2] =	stream.indirect_vreg.scatter [tilespmem:s26], [sflag:$0x1], $0x80, v3, vm0, $0xb8;
	[tilespmem:$0x8100] =	vst v63  }
0x5b: {  	v3 =	vld [tilespmem:$0x8080];
	_ =	sdelay $0x4  }
0x5c: {  	v60 =	vshll.u32 v3, $0x2  }
0x5d: {  	v3 =	vand.u32 $0x7, v3;
	v4 =	vand.u32 $0xFFFFFFE0, v60  }
0x5e: {  	v3 =	vor.u32 v3, v4  }
0x5f: {  	v4 =	vperm.xlane v3, v0;
	_ =	sdelay $0x1  }
0x60: {  	v4 =	vadd.s32 v1, v4;
	_ =	sdelay $0x1  }
0x61: {  	v3 =	vperm.xlane v3, v2;
	_ =	sdelay $0x1  }
0x62: {  	v3 =	vadd.s32 v1, v3  }
0x63: {  	[hbm4b:s3+s2] =	stream.indirect_vreg.scatter [tilespmem:s2], [sflag:$0x2], $0x80, v4, vm0, $0xb8;
	[tilespmem:$0x8100] =	vst v63  }
0x64: {  	_ = 	snop  }
0x65: {  	[hbm4b:s7+s2] =	stream.indirect_vreg.scatter [tilespmem:s12], [sflag:$0x2], $0x80, v4, vm0, $0xb8;
	[tilespmem:$0x8100] =	vst v63  }
0x66: {  	_ = 	snop  }
0x67: {  	[hbm4b:s3+s2] =	stream.indirect_vreg.scatter [tilespmem:s13], [sflag:$0x2], $0x80, v3, vm0, $0xb8;
	[tilespmem:$0x8100] =	vst v63  }
0x68: {  	_ = 	snop  }
0x69: {  	[hbm4b:s7+s2] =	stream.indirect_vreg.scatter [tilespmem:s14], [sflag:$0x2], $0x80, v3, vm0, $0xb8;
	[tilespmem:$0x8100] =	vst v63  }
0x6a: {  	v3 =	vld [tilespmem:$0x8090];
	_ =	sdelay $0x4  }
0x6b: {  	v61 =	vshll.u32 v3, $0x2  }
0x6c: {  	v3 =	vand.u32 $0x7, v3;
	v4 =	vand.u32 $0xFFFFFFE0, v61  }
0x6d: {  	v3 =	vor.u32 v3, v4  }
0x6e: {  	v4 =	vperm.xlane v3, v0;
	_ =	sdelay $0x1  }
0x6f: {  	v4 =	vadd.s32 v1, v4;
	_ =	sdelay $0x1  }
0x70: {  	v3 =	vperm.xlane v3, v2;
	_ =	sdelay $0x1  }
0x71: {  	v3 =	vadd.s32 v1, v3  }
0x72: {  	[hbm4b:s3+s2] =	stream.indirect_vreg.scatter [tilespmem:s15], [sflag:$0x2], $0x80, v4, vm0, $0xb8;
	[tilespmem:$0x8100] =	vst v63  }
0x73: {  	_ = 	snop  }
0x74: {  	[hbm4b:s7+s2] =	stream.indirect_vreg.scatter [tilespmem:s16], [sflag:$0x2], $0x80, v4, vm0, $0xb8;
	[tilespmem:$0x8100] =	vst v63  }
0x75: {  	_ = 	snop  }
0x76: {  	[hbm4b:s3+s2] =	stream.indirect_vreg.scatter [tilespmem:s17], [sflag:$0x2], $0x80, v3, vm0, $0xb8;
	[tilespmem:$0x8100] =	vst v63  }
0x77: {  	_ = 	snop  }
0x78: {  	[hbm4b:s7+s2] =	stream.indirect_vreg.scatter [tilespmem:s18], [sflag:$0x2], $0x80, v3, vm0, $0xb8;
	[tilespmem:$0x8100] =	vst v63  }
0x79: {  	v3 =	vld [tilespmem:$0x80A0];
	_ =	sdelay $0x4  }
0x7a: {  	v62 =	vshll.u32 v3, $0x2  }
0x7b: {  	v3 =	vand.u32 $0x7, v3;
	v4 =	vand.u32 $0xFFFFFFE0, v62  }
0x7c: {  	v3 =	vor.u32 v3, v4  }
0x7d: {  	v4 =	vperm.xlane v3, v0;
	_ =	sdelay $0x1  }
0x7e: {  	v4 =	vadd.s32 v1, v4;
	_ =	sdelay $0x1  }
0x7f: {  	v3 =	vperm.xlane v3, v2;
	_ =	sdelay $0x1  }
0x80: {  	v3 =	vadd.s32 v1, v3  }
0x81: {  	[hbm4b:s3+s2] =	stream.indirect_vreg.scatter [tilespmem:s19], [sflag:$0x2], $0x80, v4, vm0, $0xb8;
	[tilespmem:$0x8100] =	vst v63  }
0x82: {  	_ = 	snop  }
0x83: {  	[hbm4b:s7+s2] =	stream.indirect_vreg.scatter [tilespmem:s20], [sflag:$0x2], $0x80, v4, vm0, $0xb8;
	[tilespmem:$0x8100] =	vst v63  }
0x84: {  	_ = 	snop  }
0x85: {  	[hbm4b:s3+s2] =	stream.indirect_vreg.scatter [tilespmem:s21], [sflag:$0x2], $0x80, v3, vm0, $0xb8;
	[tilespmem:$0x8100] =	vst v63  }
0x86: {  	_ = 	snop  }
0x87: {  	[hbm4b:s7+s2] =	stream.indirect_vreg.scatter [tilespmem:s22], [sflag:$0x2], $0x80, v3, vm0, $0xb8;
	[tilespmem:$0x8100] =	vst v63  }
0x88: {  	v3 =	vld [tilespmem:$0x80B0];
	_ =	sdelay $0x4  }
0x89: {  	v63 =	vshll.u32 v3, $0x2  }
0x8a: {  	v3 =	vand.u32 $0x7, v3;
	v4 =	vand.u32 $0xFFFFFFE0, v63  }
0x8b: {  	v3 =	vor.u32 v3, v4  }
0x8c: {  	v4 =	vperm.xlane v3, v0;
	_ =	sdelay $0x1  }
0x8d: {  	v4 =	vadd.s32 v1, v4;
	_ =	sdelay $0x1  }
0x8e: {  	v3 =	vperm.xlane v3, v2;
	_ =	sdelay $0x1  }
0x8f: {  	v3 =	vadd.s32 v1, v3  }
0x90: {  	[hbm4b:s3+s2] =	stream.indirect_vreg.scatter [tilespmem:s23], [sflag:$0x2], $0x80, v4, vm0, $0xb8;
	[tilespmem:$0x8100] =	vst v63  }
0x91: {  	_ = 	snop  }
0x92: {  	[hbm4b:s7+s2] =	stream.indirect_vreg.scatter [tilespmem:s24], [sflag:$0x2], $0x80, v4, vm0, $0xb8;
	[tilespmem:$0x8100] =	vst v63  }
0x93: {  	_ = 	snop  }
0x94: {  	[hbm4b:s3+s2] =	stream.indirect_vreg.scatter [tilespmem:s25], [sflag:$0x2], $0x80, v3, vm0, $0xb8;
	[tilespmem:$0x8100] =	vst v63  }
0x95: {  	_ = 	snop  }
0x96: {  	[hbm4b:s7+s2] =	stream.indirect_vreg.scatter [tilespmem:s26], [sflag:$0x2], $0x80, v3, vm0, $0xb8;
	[tilespmem:$0x8100] =	vst v63  }
0x97: {  	p0 =	sne.s32 s8, $0x1;
	_ =	swait.ge [sflag:s28], $0x8000  }
.Ltmp0:
0x98: {  	[sflag:s28] =	ssyncset.done $0x0;
	(pc) =	sbr.rel @p0 .LBB2_1-.Ltmp0, $4  }
0x99: {  	[sflag:s28] =	ssyncadd.s32 $0xFFFF8000  }
0x9a: {  	_ =	swait.ge [sflag:s29], $0x8000  }
0x9b: {  	[sflag:s29] =	ssyncset.done $0x0  }
0x9c: {  	s8 =	sadd.s32 $0xFFFFFFFF, s8;
	[sflag:s29] =	ssyncadd.s32 $0xFFFF8000  }
0x9d: {  	_ =	sfence.sel $0x180000  }
0x9e: {  	[bflag:$0x0] =	sbarrier.arrive $0xFFFF  }
0x9f: {  	p0 =	sne.s32 s1, $0x0;
	_ =	strace $0x90000047  }
0xa0: {  	s0 =	sadd.s32 @!p0 $0x100000, s0;
	[bflag:$0x2] =	sbarrier.arrive $0xFFFF  }
0xa1: {  	[sflag:s0] =	ssyncadd.tile.s32 @!p0 $0x1;
	_ =	shalt  }
.Lfunc_end2:
_tile_overlayer_lowered:
.L_overlay_start_2:
0xa2: {  	(tag) =	ssettag $0x2  }
0xa3: {  	s0 =	rddreg [dreg:$0x0];
	s2 =	stileid.u32  }
0xa4: {  	s1 =	rddreg [dreg:$0x1];
	p0 =	sne.s32 s2, $0x0  }
0xa5: {  	s3 =	rddreg [dreg:$0x2];
	[bflag:$0x3] =	sbarrier.arrive $0xFFFF;
	s2 =	simm.s32 @!p0 $0x1C03  }
0xa6: {  	[timem:s3], [sflag:s2] =	dma.local @!p0 [hbm:s0], s1  }
0xa7: {  	s0 =	simm.s32 @!p0 $0x3  }
0xa8: {  	_ =	swait.ge @!p0 [sflag:s0], s1  }
0xa9: {  	s1 =	ssub.s32 @!p0 $0x0, s1;
	[sflag:s0] =	ssyncset.done @!p0 $0x0  }
0xaa: {  	[sflag:s0] =	ssyncadd.s32 @!p0 s1  }
0xab: {  	[bflag:$0x3] =	sbarrier.arrive $0xFFFF  }
0xac: {  	_ =	shalt  }

</sc_bundles>
